<compile_context>
chip_gen: v7x
topology: tpu7x:2x2x1
jax: 0.10.2.dev20260603
libtpu: 0.0.44.dev20260713+nightly
codegen_flags: <defaults>
</compile_context>

<pallas_src>
import functools

import jax
import jax.numpy as jnp
from jax import lax
from jax.experimental import pallas as pl
from jax.experimental.pallas import tpu as pltpu
from jax.experimental.pallas import tpu_sc as plsc

B = 32
Q = 5000
C = 80
N = Q * C
K = 300
CAP = 640
NB = 4192
WIN = 40000
NWIN = N // WIN
VPW = WIN // 16
NPAD = 384
PAD_IDX = 1 << 24


QW = 200


def _sc_select(logits_hbm, val_hbm, idx_hbm, win, hist, cv, ci):
    nc = 2
    row = lax.axis_index("s") * nc + lax.axis_index("c")
    lane = lax.iota(jnp.int32, 16)
    zeros16 = jnp.zeros((16,), jnp.int32)

    def zinit(i, _):
        hist[pl.ds(i * 16, 16)] = jnp.zeros((16,), jnp.float32)
        return 0

    lax.fori_loop(0, NB, zinit, 0)

    def cinit(i, _):
        cv[pl.ds(i * 16, 16)] = jnp.full((16,), -1e30, jnp.float32)
        ci[pl.ds(i * 16, 16)] = PAD_IDX + i * 16 + lane
        return 0

    lax.fori_loop(0, CAP // 16, cinit, 0)

    ones16 = jnp.ones((16,), jnp.float32)

    base = row * N

    def hwin(w, _):
        pltpu.sync_copy(logits_hbm.at[pl.ds(base + w * WIN, WIN)], win)

        @plsc.parallel_loop(0, VPW, unroll=8)
        def hvec(j):
            v = win[pl.ds(j * 16, 16)]
            s = lax.bitcast_convert_type(v, jnp.int32)
            b = jnp.minimum(jnp.maximum(s >> 18, 0), NB - 1)
            plsc.addupdate_scatter(hist, [(b << 4) | lane], ones16)

        return 0

    lax.fori_loop(0, NWIN, hwin, 0)

    def cond(c):
        j, cum = c
        return (cum < K) & (j >= 0)

    def step(c):
        j, cum = c
        cnt = jnp.sum(hist[pl.ds(j * 16, 16)]).astype(jnp.int32)
        return j - 1, cum + cnt

    jt, _ = lax.while_loop(cond, step, (NB - 1, jnp.int32(0)))
    tbin = jnp.maximum(jt, 0)
    edge = tbin << 18

    def cwin(w, off):
        pltpu.sync_copy(logits_hbm.at[pl.ds(base + w * WIN, WIN)], win)

        @plsc.parallel_loop(0, VPW, unroll=4, carry=off)
        def cvec(j, off):
            v = win[pl.ds(j * 16, 16)]
            s = lax.bitcast_convert_type(v, jnp.int32)
            m = s >= edge
            incl = plsc.cumsum(m.astype(jnp.int32))
            pos = off + incl - 1
            ok = m & (pos < CAP)
            plsc.store_scatter(cv, [pos], v, mask=ok)
            fidx = w * WIN + j * 16 + lane
            plsc.store_scatter(ci, [pos], fidx, mask=ok)
            return off + plsc.all_reduce_population_count(m)

        return cvec

    lax.fori_loop(0, NWIN, cwin, zeros16)

    pltpu.sync_copy(cv, val_hbm.at[pl.ds(row * CAP, CAP)])
    pltpu.sync_copy(ci, idx_hbm.at[pl.ds(row * CAP, CAP)])


def _sc_call(logits):
    mesh = plsc.VectorSubcoreMesh(core_axis_name="c", subcore_axis_name="s")
    f = functools.partial(
        pl.kernel,
        mesh=mesh,
        out_type=[
            jax.ShapeDtypeStruct((B * CAP,), jnp.float32),
            jax.ShapeDtypeStruct((B * CAP,), jnp.int32),
        ],
        scratch_types=[
            pltpu.VMEM((WIN,), jnp.float32),
            pltpu.VMEM((NB * 16,), jnp.float32),
            pltpu.VMEM((CAP,), jnp.float32),
            pltpu.VMEM((CAP,), jnp.int32),
        ],
        compiler_params=pltpu.CompilerParams(needs_layout_passes=False),
    )(_sc_select)
    return f(logits.reshape(B * N))


def _tc_body(vr_ref, ir_ref, bm_ref, ts_ref, m_ref):
    vr = vr_ref[0]
    ir = ir_ref[0]
    pr = 1.0 / (1.0 + jnp.exp(-vr))
    pc = pr.reshape(CAP, 1)
    ic = ir.reshape(CAP, 1)

    beats = (pr > pc) | ((pr == pc) & (ir < ic))
    rank = jnp.sum(beats.astype(jnp.float32), axis=1, keepdims=True)

    rio = lax.broadcasted_iota(jnp.int32, (CAP, NPAD), 1).astype(jnp.float32)
    m = jnp.where(rank == rio, 1.0, 0.0)

    dot = functools.partial(
        jnp.dot,
        preferred_element_type=jnp.float32,
        precision=lax.Precision.HIGHEST,
    )
    scores = dot(pr, m)
    idxs = dot(ir, m)

    cf = jnp.float32(C)
    t = jnp.floor(idxs / cf)
    labels = idxs - cf * t

    ta = jnp.floor(t / 40.0)
    tb = t - 40.0 * ta
    bio = lax.broadcasted_iota(jnp.int32, (40, NPAD), 0).astype(jnp.float32)
    bh = jnp.where(bio == tb, 1.0, 0.0)
    m1 = dot(bm_ref[0], bh)
    aio = lax.broadcasted_iota(jnp.int32, (125, NPAD), 0).astype(jnp.float32)
    ah = jnp.where(aio == ta, 1.0, 0.0)
    sel3 = jnp.concatenate(
        [
            jnp.sum(m1[c * 125 : (c + 1) * 125] * ah, axis=0, keepdims=True)
            for c in range(3)
        ],
        axis=0,
    )

    h = ts_ref[0, 0, 0:1]
    w = ts_ref[0, 0, 1:2]
    s3 = (w + h) * 0.5
    bx = sel3[0:1]
    by = sel3[1:2]
    br = sel3[2:3]

    m_ref[0, 9:10, :] = scores
    m_ref[0, 0:1, :] = labels
    m_ref[0, 1:2, :] = t
    m_ref[0, 2:3, :] = bx * w
    m_ref[0, 3:4, :] = by * h
    m_ref[0, 4:5, :] = br * s3
    m_ref[0, 5:6, :] = (bx - br) * w
    m_ref[0, 6:7, :] = (by - br) * h
    m_ref[0, 7:8, :] = (bx + br) * w
    m_ref[0, 8:9, :] = (by + br) * h


def _tc_call(cval, cidx, pred_boxes, target_sizes):
    cif = cidx.astype(jnp.float32)
    vr = cval.reshape(B, 1, CAP)
    ir = cif.reshape(B, 1, CAP)
    bm = pred_boxes.transpose(0, 2, 1).reshape(B, 375, 40)
    ts = target_sizes.reshape(B, 1, 2)
    return pl.pallas_call(
        _tc_body,
        grid=(B,),
        in_specs=[
            pl.BlockSpec((1, 1, CAP), lambda i: (i, 0, 0)),
            pl.BlockSpec((1, 1, CAP), lambda i: (i, 0, 0)),
            pl.BlockSpec((1, 375, 40), lambda i: (i, 0, 0)),
            pl.BlockSpec((1, 1, 2), lambda i: (i, 0, 0)),
        ],
        out_specs=pl.BlockSpec((1, 16, NPAD), lambda i: (i, 0, 0)),
        out_shape=jax.ShapeDtypeStruct((B, 16, NPAD), jnp.float32),
    )(vr, ir, bm, ts)


def kernel(pred_logits, pred_boxes, target_sizes):
    cval, cidx = _sc_call(pred_logits)
    misc = _tc_call(
        cval.reshape(B, CAP), cidx.reshape(B, CAP), pred_boxes, target_sizes
    )
    scores = misc[:, 9, :K]
    labels = misc[:, 0, :K].astype(jnp.int32)
    topk_boxes = misc[:, 1, :K].astype(jnp.int32)
    boxes = misc[:, 2:5, :K].transpose(0, 2, 1)
    true_boxes = misc[:, 5:9, :K].transpose(0, 2, 1)
    return scores, labels, boxes, true_boxes, topk_boxes

# --- scband reference (transcript-rebuilt; emitter-appended) ---
"""Pipeline reference for scband-circle-post-process-81810537055225 (READ-ONLY COPY).

The authoritative reference and input builder live on the scoring server;
editing this copy changes nothing except your own understanding.
"""

import jax, jax.numpy as jnp
import numpy as np

NUM_SELECT = 300

def box_xyr_to_xyxy(b):
    x, y, r = b[..., 0], b[..., 1], b[..., 2]
    return jnp.stack([x - r, y - r, x + r, y + r], axis=-1)

def setup_inputs(seed: int = 0) -> dict:
    key = jax.random.key(seed)
    k1, k2, k3 = jax.random.split(key, 3)
    pred_logits = jax.random.normal(k1, (32, 5000, 80), dtype=jnp.float32)
    pred_boxes = jax.random.uniform(k2, (32, 5000, 3), dtype=jnp.float32)
    # target_sizes: image (h, w) pairs; uniform in [200, 1333)
    target_sizes = jax.random.uniform(k3, (32, 2), dtype=jnp.float32) * 1133.0 + 200.0
    return {"pred_logits": pred_logits, "pred_boxes": pred_boxes, "target_sizes": target_sizes}

def reference(pred_logits, pred_boxes, target_sizes):
    num_select = NUM_SELECT
    B, Q, C = pred_logits.shape
    prob = jax.nn.sigmoid(pred_logits)
    flat = prob.reshape(B, -1)
    topk_values, topk_indexes = jax.lax.top_k(flat, num_select)
    scores = topk_values
    topk_boxes = topk_indexes // C
    labels = topk_indexes % C
    true_boxes_all = box_xyr_to_xyxy(pred_boxes)
    boxes = jnp.take_along_axis(pred_boxes, topk_boxes[:, :, None], axis=1)
    true_boxes = jnp.take_along_axis(true_boxes_all, topk_boxes[:, :, None], axis=1)
    img_h = target_sizes[:, 0]
    img_w = target_sizes[:, 1]
    scale_fct = jnp.stack([img_w, img_h, (img_w + img_h) / 2.0], axis=1)
    boxes = boxes * scale_fct[:, None, :]
    true_scale_fct = jnp.stack([img_w, img_h, img_w, img_h], axis=1)
    true_boxes = true_boxes * true_scale_fct[:, None, :]
    return (scores, labels, boxes, true_boxes, topk_boxes)

if __name__ == "__main__":
    import jax
    _d = setup_inputs()
    print(jax.jit(kernel)(*tuple(_d.values())))

</pallas_src>

<mosaic_0001>
#map = affine_map<(d0, d1) -> (0)>
module attributes {stable_mosaic.version = 14 : i64} {
  func.func @_sc_select(%arg0: i32, %arg1: i32, %arg2: memref<12800000xf32, #tpu.memory_space<hbm>>, %arg3: memref<20480xf32, #tpu.memory_space<hbm>>, %arg4: memref<20480xi32, #tpu.memory_space<hbm>>, %arg5: memref<40000xf32, #tpu.memory_space<vmem>>, %arg6: memref<67072xf32, #tpu.memory_space<vmem>>, %arg7: memref<640xf32, #tpu.memory_space<vmem>>, %arg8: memref<640xi32, #tpu.memory_space<vmem>>) attributes {dimension_semantics = [#tpu.dimension_semantics<core_parallel>, #tpu.dimension_semantics<subcore_parallel>], iteration_bounds = array<i64: 2, 16>, scalar_prefetch = 0 : i64, scratch_operands = 4 : i64, tpu.core_type = #tpu.core_type<sc_vector_subcore>, window_params = [{transform_indices = #map}, {transform_indices = #map}, {transform_indices = #map}]} {
    %mul3A = arith.constant 2 : i32
    %mul3A_0 = arith.muli %arg1, %mul3A : i32
    %add3A = arith.addi %mul3A_0, %arg0 : i32
    %iota3A = tpu.iota {dimensions = array<i32: 0>} : vector<16xi32>
    %broadcast_in_dim3A = arith.constant 0 : i32
    %broadcast_in_dim3A_1 = vector.broadcast %broadcast_in_dim3A : i32 to vector<16xi32>
    %scan3A = arith.constant 0 : i32
    %scan3A_2 = arith.constant 0 : i32
    %scan3A_3 = arith.constant 4192 : i32
    %scan3A_4 = arith.addi %scan3A_2, %scan3A_3 : i32
    %scan3A_5 = arith.constant 1 : i32
    %scan3A_6 = scf.for %scan3A_40 = %scan3A_2 to %scan3A_4 step %scan3A_5 iter_args(%scan3A_41 = %scan3A) -> (i32)  : i32 {
      %broadcast_in_dim3A_42 = arith.constant 0.000000e+00 : f32
      %broadcast_in_dim3A_43 = vector.broadcast %broadcast_in_dim3A_42 : f32 to vector<16xf32>
      %mul3A_44 = arith.constant 16 : i32
      %mul3A_45 = arith.muli %scan3A_40, %mul3A_44 : i32
      %swap3A = arith.index_cast %mul3A_45 : i32 to index
      %swap3A_46 = tpu.vector_load %arg6[%swap3A] {strides = array<i32>} : memref<67072xf32, #tpu.memory_space<vmem>>, vector<16xf32>,
      tpu.vector_store %arg6[%swap3A], %broadcast_in_dim3A_43 {strides = array<i32>} : memref<67072xf32, #tpu.memory_space<vmem>>, vector<16xf32>,
      %scan3A_47 = arith.constant 0 : i32
      scf.yield %scan3A_47 : i32
    }
    %scan3A_7 = arith.constant 4192 : i32
    %scan3A_8 = arith.constant 0 : i32
    %scan3A_9 = arith.constant 0 : i32
    %scan3A_10 = arith.constant 40 : i32
    %scan3A_11 = arith.addi %scan3A_9, %scan3A_10 : i32
    %scan3A_12 = arith.constant 1 : i32
    %scan3A_13 = scf.for %scan3A_40 = %scan3A_9 to %scan3A_11 step %scan3A_12 iter_args(%scan3A_41 = %scan3A_8) -> (i32)  : i32 {
      %broadcast_in_dim3A_42 = arith.constant -1.000000e+30 : f32
      %broadcast_in_dim3A_43 = vector.broadcast %broadcast_in_dim3A_42 : f32 to vector<16xf32>
      %mul3A_44 = arith.constant 16 : i32
      %mul3A_45 = arith.muli %scan3A_40, %mul3A_44 : i32
      %swap3A = arith.index_cast %mul3A_45 : i32 to index
      %swap3A_46 = tpu.vector_load %arg7[%swap3A] {strides = array<i32>} : memref<640xf32, #tpu.memory_space<vmem>>, vector<16xf32>,
      tpu.vector_store %arg7[%swap3A], %broadcast_in_dim3A_43 {strides = array<i32>} : memref<640xf32, #tpu.memory_space<vmem>>, vector<16xf32>,
      %mul3A_47 = arith.constant 16 : i32
      %mul3A_48 = arith.muli %scan3A_40, %mul3A_47 : i32
      %add3A_49 = arith.constant 16777216 : i32
      %add3A_50 = arith.addi %add3A_49, %mul3A_48 : i32
      %add3A_51 = vector.broadcast %add3A_50 : i32 to vector<16xi32>
      %add3A_52 = arith.addi %add3A_51, %iota3A : vector<16xi32>
      %mul3A_53 = arith.constant 16 : i32
      %mul3A_54 = arith.muli %scan3A_40, %mul3A_53 : i32
      %swap3A_55 = arith.index_cast %mul3A_54 : i32 to index
      %swap3A_56 = tpu.vector_load %arg8[%swap3A_55] {strides = array<i32>} : memref<640xi32, #tpu.memory_space<vmem>>, vector<16xi32>,
      tpu.vector_store %arg8[%swap3A_55], %add3A_52 {strides = array<i32>} : memref<640xi32, #tpu.memory_space<vmem>>, vector<16xi32>,
      %scan3A_57 = arith.constant 0 : i32
      scf.yield %scan3A_57 : i32
    }
    %scan3A_14 = arith.constant 40 : i32
    %broadcast_in_dim3A_15 = arith.constant 1.000000e+00 : f32
    %broadcast_in_dim3A_16 = vector.broadcast %broadcast_in_dim3A_15 : f32 to vector<16xf32>
    %mul3A_17 = arith.constant 400000 : i32
    %mul3A_18 = arith.muli %add3A, %mul3A_17 : i32
    %scan3A_19 = arith.constant 0 : i32
    %scan3A_20 = arith.constant 0 : i32
    %scan3A_21 = arith.constant 10 : i32
    %scan3A_22 = arith.addi %scan3A_20, %scan3A_21 : i32
    %scan3A_23 = arith.constant 1 : i32
    %scan3A_24 = scf.for %scan3A_40 = %scan3A_20 to %scan3A_22 step %scan3A_23 iter_args(%scan3A_41 = %scan3A_19) -> (i32)  : i32 {
      %mul3A_42 = arith.constant 40000 : i32
      %mul3A_43 = arith.muli %scan3A_40, %mul3A_42 : i32
      %add3A_44 = arith.addi %mul3A_18, %mul3A_43 : i32
      "tpu.region"() ({
        %run_scoped3A = tpu.sem_alloc : memref<!tpu.dma_semaphore, #tpu.memory_space<semaphore_mem>>
        %dma_start3A = tpu.memref_slice %arg2[%add3A_44] : memref<12800000xf32, #tpu.memory_space<hbm>> -> memref<40000xf32, #tpu.memory_space<hbm>>
        %dma_start3A_48 = tpu.memref_slice %arg2[%add3A_44] : memref<12800000xf32, #tpu.memory_space<hbm>> -> memref<40000xf32, #tpu.memory_space<hbm>>
        tpu.enqueue_dma source(%dma_start3A_48 : memref<40000xf32, #tpu.memory_space<hbm>>) target(%arg5 : memref<40000xf32, #tpu.memory_space<vmem>>) target_semaphore(%run_scoped3A : memref<!tpu.dma_semaphore, #tpu.memory_space<semaphore_mem>>)
        %dma_wait3A = tpu.memref_slice %arg2[%add3A_44] : memref<12800000xf32, #tpu.memory_space<hbm>> -> memref<40000xf32, #tpu.memory_space<hbm>>
        %dma_wait3A_49 = tpu.memref_slice %arg2[%add3A_44] : memref<12800000xf32, #tpu.memory_space<hbm>> -> memref<40000xf32, #tpu.memory_space<hbm>>
        tpu.wait_dma2 semaphore(%run_scoped3A : memref<!tpu.dma_semaphore, #tpu.memory_space<semaphore_mem>>) src(%dma_wait3A_49 : memref<40000xf32, #tpu.memory_space<hbm>>) dst(%arg5 : memref<40000xf32, #tpu.memory_space<vmem>>)
        tpu.yield
      }) : () -> ()
      %parallel_loop3A = arith.constant 0 : i32
      %parallel_loop3A_45 = arith.constant 2500 : i32
      %parallel_loop3A_46 = arith.constant 1 : i32
      scf.for %parallel_loop3A_48 = %parallel_loop3A to %parallel_loop3A_45 step %parallel_loop3A_46  : i32 {
        %parallel_loop3A_49 = arith.constant 16 : i32
        %parallel_loop3A_50 = arith.muli %parallel_loop3A_48, %parallel_loop3A_49 : i32
        %parallel_loop3A_51 = arith.index_cast %parallel_loop3A_50 : i32 to index
        %parallel_loop3A_52 = tpu.vector_load %arg5[%parallel_loop3A_51] {strides = array<i32>} : memref<40000xf32, #tpu.memory_space<vmem>>, vector<16xf32>,
        %parallel_loop3A_53 = tpu.bitcast %parallel_loop3A_52 : vector<16xf32> -> vector<16xi32>
        %parallel_loop3A_54 = arith.constant 18 : i32
        %parallel_loop3A_55 = vector.broadcast %parallel_loop3A_54 : i32 to vector<16xi32>
        %parallel_loop3A_56 = arith.shrsi %parallel_loop3A_53, %parallel_loop3A_55 : vector<16xi32>
        %parallel_loop3A_57 = arith.constant 0 : i32
        %parallel_loop3A_58 = vector.broadcast %parallel_loop3A_57 : i32 to vector<16xi32>
        %parallel_loop3A_59 = arith.maxsi %parallel_loop3A_56, %parallel_loop3A_58 : vector<16xi32>
        %parallel_loop3A_60 = arith.constant 4191 : i32
        %parallel_loop3A_61 = vector.broadcast %parallel_loop3A_60 : i32 to vector<16xi32>
        %parallel_loop3A_62 = arith.minsi %parallel_loop3A_59, %parallel_loop3A_61 : vector<16xi32>
        %parallel_loop3A_63 = arith.constant 4 : i32
        %parallel_loop3A_64 = vector.broadcast %parallel_loop3A_63 : i32 to vector<16xi32>
        %parallel_loop3A_65 = arith.shli %parallel_loop3A_62, %parallel_loop3A_64 : vector<16xi32>
        %parallel_loop3A_66 = arith.ori %parallel_loop3A_65, %iota3A : vector<16xi32>
        tpu.vector_store_idx %arg6[%parallel_loop3A_66], %broadcast_in_dim3A_16 {add = true} : memref<67072xf32, #tpu.memory_space<vmem>>[vector<16xi32>], vector<16xf32>,
      } {sc.loop_unroll_factor = 8 : i64, sc.parallel_access}
      %scan3A_47 = arith.constant 0 : i32
      scf.yield %scan3A_47 : i32
    }
    %scan3A_25 = arith.constant 10 : i32
    %while3A = arith.constant 4191 : i32
    %while3A_26 = arith.constant 0 : i32
    %while3A_27:2 = scf.while (%while3A_40 = %while3A, %while3A_41 = %while3A_26) : (i32, i32) -> (i32, i32) {
      %lt3A = arith.constant 300 : i32
      %lt3A_42 = arith.cmpi slt, %while3A_41, %lt3A : i32
      %ge3A = arith.constant 0 : i32
      %ge3A_43 = arith.cmpi sge, %while3A_40, %ge3A : i32
      %and3A = arith.andi %lt3A_42, %ge3A_43 : i1
      scf.condition(%and3A) %while3A_40, %while3A_41 : i32, i32
    } do {
    ^bb0(%while3A_40: i32, %while3A_41: i32):
      %mul3A_42 = arith.constant 16 : i32
      %mul3A_43 = arith.muli %while3A_40, %mul3A_42 : i32
      %get3A = arith.index_cast %mul3A_43 : i32 to index
      %get3A_44 = tpu.vector_load %arg6[%get3A] {strides = array<i32>} : memref<67072xf32, #tpu.memory_space<vmem>>, vector<16xf32>,
      %reduce_sum3A = arith.constant true
      %reduce_sum3A_45 = vector.broadcast %reduce_sum3A : i1 to vector<16xi1>
      %reduce_sum3A_46 = tpu.scan <sum>, %get3A_44 masked %reduce_sum3A_45 : vector<16xf32>, vector<16xi1> -> vector<16xf32>
      %reduce_sum3A_47 = vector.extract %reduce_sum3A_46[15] : f32 from vector<16xf32>
      %convert_element_type3A = arith.fptosi %reduce_sum3A_47 : f32 to i32
      %sub3A = arith.constant 1 : i32
      %sub3A_48 = arith.subi %while3A_40, %sub3A : i32
      %add3A_49 = arith.addi %while3A_41, %convert_element_type3A : i32
      scf.yield %sub3A_48, %add3A_49 : i32, i32
    }
    %max3A = arith.constant 0 : i32
    %max3A_28 = arith.maxsi %while3A_27#0, %max3A : i32
    %shift_left3A = arith.constant 18 : i32
    %shift_left3A_29 = arith.shli %max3A_28, %shift_left3A : i32
    %scan3A_30 = arith.constant 0 : i32
    %scan3A_31 = arith.constant 10 : i32
    %scan3A_32 = arith.addi %scan3A_30, %scan3A_31 : i32
    %scan3A_33 = arith.constant 1 : i32
    %scan3A_34 = scf.for %scan3A_40 = %scan3A_30 to %scan3A_32 step %scan3A_33 iter_args(%scan3A_41 = %broadcast_in_dim3A_1) -> (vector<16xi32>)  : i32 {
      %mul3A_42 = arith.constant 40000 : i32
      %mul3A_43 = arith.muli %scan3A_40, %mul3A_42 : i32
      %add3A_44 = arith.addi %mul3A_18, %mul3A_43 : i32
      "tpu.region"() ({
        %run_scoped3A = tpu.sem_alloc : memref<!tpu.dma_semaphore, #tpu.memory_space<semaphore_mem>>
        %dma_start3A = tpu.memref_slice %arg2[%add3A_44] : memref<12800000xf32, #tpu.memory_space<hbm>> -> memref<40000xf32, #tpu.memory_space<hbm>>
        %dma_start3A_48 = tpu.memref_slice %arg2[%add3A_44] : memref<12800000xf32, #tpu.memory_space<hbm>> -> memref<40000xf32, #tpu.memory_space<hbm>>
        tpu.enqueue_dma source(%dma_start3A_48 : memref<40000xf32, #tpu.memory_space<hbm>>) target(%arg5 : memref<40000xf32, #tpu.memory_space<vmem>>) target_semaphore(%run_scoped3A : memref<!tpu.dma_semaphore, #tpu.memory_space<semaphore_mem>>)
        %dma_wait3A = tpu.memref_slice %arg2[%add3A_44] : memref<12800000xf32, #tpu.memory_space<hbm>> -> memref<40000xf32, #tpu.memory_space<hbm>>
        %dma_wait3A_49 = tpu.memref_slice %arg2[%add3A_44] : memref<12800000xf32, #tpu.memory_space<hbm>> -> memref<40000xf32, #tpu.memory_space<hbm>>
        tpu.wait_dma2 semaphore(%run_scoped3A : memref<!tpu.dma_semaphore, #tpu.memory_space<semaphore_mem>>) src(%dma_wait3A_49 : memref<40000xf32, #tpu.memory_space<hbm>>) dst(%arg5 : memref<40000xf32, #tpu.memory_space<vmem>>)
        tpu.yield
      }) : () -> ()
      %parallel_loop3A = arith.constant 0 : i32
      %parallel_loop3A_45 = arith.constant 2500 : i32
      %parallel_loop3A_46 = arith.constant 1 : i32
      %parallel_loop3A_47 = scf.for %parallel_loop3A_48 = %parallel_loop3A to %parallel_loop3A_45 step %parallel_loop3A_46 iter_args(%parallel_loop3A_49 = %scan3A_41) -> (vector<16xi32>)  : i32 {
        %parallel_loop3A_50 = arith.constant 16 : i32
        %parallel_loop3A_51 = arith.muli %parallel_loop3A_48, %parallel_loop3A_50 : i32
        %parallel_loop3A_52 = arith.index_cast %parallel_loop3A_51 : i32 to index
        %parallel_loop3A_53 = tpu.vector_load %arg5[%parallel_loop3A_52] {strides = array<i32>} : memref<40000xf32, #tpu.memory_space<vmem>>, vector<16xf32>,
        %parallel_loop3A_54 = tpu.bitcast %parallel_loop3A_53 : vector<16xf32> -> vector<16xi32>
        %parallel_loop3A_55 = vector.broadcast %shift_left3A_29 : i32 to vector<16xi32>
        %parallel_loop3A_56 = arith.cmpi sge, %parallel_loop3A_54, %parallel_loop3A_55 : vector<16xi32>
        %parallel_loop3A_57 = arith.extui %parallel_loop3A_56 : vector<16xi1> to vector<16xi32>
        %parallel_loop3A_58 = arith.constant true
        %parallel_loop3A_59 = vector.broadcast %parallel_loop3A_58 : i1 to vector<16xi1>
        %parallel_loop3A_60 = tpu.scan <sum>, %parallel_loop3A_57 masked %parallel_loop3A_59 : vector<16xi32>, vector<16xi1> -> vector<16xi32>
        %parallel_loop3A_61 = arith.addi %parallel_loop3A_49, %parallel_loop3A_60 : vector<16xi32>
        %parallel_loop3A_62 = arith.constant 1 : i32
        %parallel_loop3A_63 = vector.broadcast %parallel_loop3A_62 : i32 to vector<16xi32>
        %parallel_loop3A_64 = arith.subi %parallel_loop3A_61, %parallel_loop3A_63 : vector<16xi32>
        %parallel_loop3A_65 = arith.constant 640 : i32
        %parallel_loop3A_66 = vector.broadcast %parallel_loop3A_65 : i32 to vector<16xi32>
        %parallel_loop3A_67 = arith.cmpi slt, %parallel_loop3A_64, %parallel_loop3A_66 : vector<16xi32>
        %parallel_loop3A_68 = arith.andi %parallel_loop3A_56, %parallel_loop3A_67 : vector<16xi1>
        tpu.vector_store_idx %arg7[%parallel_loop3A_64], %parallel_loop3A_53 masked %parallel_loop3A_68 : memref<640xf32, #tpu.memory_space<vmem>>[vector<16xi32>], vector<16xf32>, vector<16xi1>
        %parallel_loop3A_69 = arith.constant 40000 : i32
        %parallel_loop3A_70 = arith.muli %scan3A_40, %parallel_loop3A_69 : i32
        %parallel_loop3A_71 = arith.constant 16 : i32
        %parallel_loop3A_72 = arith.muli %parallel_loop3A_48, %parallel_loop3A_71 : i32
        %parallel_loop3A_73 = arith.addi %parallel_loop3A_70, %parallel_loop3A_72 : i32
        %parallel_loop3A_74 = vector.broadcast %parallel_loop3A_73 : i32 to vector<16xi32>
        %parallel_loop3A_75 = arith.addi %parallel_loop3A_74, %iota3A : vector<16xi32>
        tpu.vector_store_idx %arg8[%parallel_loop3A_64], %parallel_loop3A_75 masked %parallel_loop3A_68 : memref<640xi32, #tpu.memory_space<vmem>>[vector<16xi32>], vector<16xi32>, vector<16xi1>
        %parallel_loop3A_76 = tpu.all_reduce %parallel_loop3A_56 {dim = 0 : i64, kind = #tpu.reduction_kind<sum>} : vector<16xi1> -> vector<16xi32>
        %parallel_loop3A_77 = arith.addi %parallel_loop3A_49, %parallel_loop3A_76 : vector<16xi32>
        scf.yield %parallel_loop3A_77 : vector<16xi32>
      } {sc.loop_unroll_factor = 4 : i64, sc.parallel_access}
      scf.yield %parallel_loop3A_47 : vector<16xi32>
    }
    %scan3A_35 = arith.constant 10 : i32
    %mul3A_36 = arith.constant 640 : i32
    %mul3A_37 = arith.muli %add3A, %mul3A_36 : i32
    "tpu.region"() ({
      %run_scoped3A = tpu.sem_alloc : memref<!tpu.dma_semaphore, #tpu.memory_space<semaphore_mem>>
      %dma_start3A = tpu.memref_slice %arg3[%mul3A_37] : memref<20480xf32, #tpu.memory_space<hbm>> -> memref<640xf32, #tpu.memory_space<hbm>>
      %dma_start3A_40 = tpu.memref_slice %arg3[%mul3A_37] : memref<20480xf32, #tpu.memory_space<hbm>> -> memref<640xf32, #tpu.memory_space<hbm>>
      tpu.enqueue_dma source(%arg7 : memref<640xf32, #tpu.memory_space<vmem>>) target(%dma_start3A_40 : memref<640xf32, #tpu.memory_space<hbm>>) target_semaphore(%run_scoped3A : memref<!tpu.dma_semaphore, #tpu.memory_space<semaphore_mem>>)
      %dma_wait3A = tpu.memref_slice %arg3[%mul3A_37] : memref<20480xf32, #tpu.memory_space<hbm>> -> memref<640xf32, #tpu.memory_space<hbm>>
      %dma_wait3A_41 = tpu.memref_slice %arg3[%mul3A_37] : memref<20480xf32, #tpu.memory_space<hbm>> -> memref<640xf32, #tpu.memory_space<hbm>>
      tpu.wait_dma2 semaphore(%run_scoped3A : memref<!tpu.dma_semaphore, #tpu.memory_space<semaphore_mem>>) src(%arg7 : memref<640xf32, #tpu.memory_space<vmem>>) dst(%dma_wait3A_41 : memref<640xf32, #tpu.memory_space<hbm>>)
      tpu.yield
    }) : () -> ()
    %mul3A_38 = arith.constant 640 : i32
    %mul3A_39 = arith.muli %add3A, %mul3A_38 : i32
    "tpu.region"() ({
      %run_scoped3A = tpu.sem_alloc : memref<!tpu.dma_semaphore, #tpu.memory_space<semaphore_mem>>
      %dma_start3A = tpu.memref_slice %arg4[%mul3A_39] : memref<20480xi32, #tpu.memory_space<hbm>> -> memref<640xi32, #tpu.memory_space<hbm>>
      %dma_start3A_40 = tpu.memref_slice %arg4[%mul3A_39] : memref<20480xi32, #tpu.memory_space<hbm>> -> memref<640xi32, #tpu.memory_space<hbm>>
      tpu.enqueue_dma source(%arg8 : memref<640xi32, #tpu.memory_space<vmem>>) target(%dma_start3A_40 : memref<640xi32, #tpu.memory_space<hbm>>) target_semaphore(%run_scoped3A : memref<!tpu.dma_semaphore, #tpu.memory_space<semaphore_mem>>)
      %dma_wait3A = tpu.memref_slice %arg4[%mul3A_39] : memref<20480xi32, #tpu.memory_space<hbm>> -> memref<640xi32, #tpu.memory_space<hbm>>
      %dma_wait3A_41 = tpu.memref_slice %arg4[%mul3A_39] : memref<20480xi32, #tpu.memory_space<hbm>> -> memref<640xi32, #tpu.memory_space<hbm>>
      tpu.wait_dma2 semaphore(%run_scoped3A : memref<!tpu.dma_semaphore, #tpu.memory_space<semaphore_mem>>) src(%arg8 : memref<640xi32, #tpu.memory_space<vmem>>) dst(%dma_wait3A_41 : memref<640xi32, #tpu.memory_space<hbm>>)
      tpu.yield
    }) : () -> ()
    return
  }
}

module attributes {stable_mosaic.version = 14 : i64} {
  func.func @_tc_body(%arg0: i32, %arg1: memref<1x1x640xf32, #tpu.memory_space<vmem>>, %arg2: memref<1x1x640xf32, #tpu.memory_space<vmem>>, %arg3: memref<1x375x40xf32, #tpu.memory_space<vmem>>, %arg4: memref<1x1x2xf32, #tpu.memory_space<vmem>>, %arg5: memref<1x16x384xf32, #tpu.memory_space<vmem>>) attributes {dimension_semantics = [#tpu.dimension_semantics<arbitrary>], iteration_bounds = array<i64: 32>, scalar_prefetch = 0 : i64, scratch_operands = 0 : i64, tpu.core_type = #tpu.core_type<tc>, window_params = [{transform_indices = @transform_0, window_bounds = array<i64: 1, 1, 640>}, {transform_indices = @transform_1, window_bounds = array<i64: 1, 1, 640>}, {transform_indices = @transform_2, window_bounds = array<i64: 1, 375, 40>}, {transform_indices = @transform_3, window_bounds = array<i64: 1, 1, 2>}, {transform_indices = @transform_4, window_bounds = array<i64: 1, 16, 384>}]} {
    %get3A = arith.constant 0 : index
    %get3A_0 = arith.constant 0 : index
    %get3A_1 = arith.constant 0 : index
    %get3A_2 = vector.load %arg1[%get3A, %get3A_0, %get3A_1] : memref<1x1x640xf32, #tpu.memory_space<vmem>>, vector<1x1x640xf32>
    %get3A_3 = vector.shape_cast %get3A_2 : vector<1x1x640xf32> to vector<1x640xf32>
    %get3A_4 = arith.constant 0 : index
    %get3A_5 = arith.constant 0 : index
    %get3A_6 = arith.constant 0 : index
    %get3A_7 = vector.load %arg2[%get3A_4, %get3A_5, %get3A_6] : memref<1x1x640xf32, #tpu.memory_space<vmem>>, vector<1x1x640xf32>
    %get3A_8 = vector.shape_cast %get3A_7 : vector<1x1x640xf32> to vector<1x640xf32>
    %neg3A = arith.constant 0.000000e+00 : f32
    %neg3A_9 = vector.broadcast %neg3A : f32 to vector<1x640xf32>
    %neg3A_10 = arith.subf %neg3A_9, %get3A_3 : vector<1x640xf32>
    %exp3A = math.exp %neg3A_10 : vector<1x640xf32>
    %add3A = arith.constant 1.000000e+00 : f32
    %add3A_11 = vector.broadcast %add3A : f32 to vector<1x640xf32>
    %add3A_12 = arith.addf %add3A_11, %exp3A : vector<1x640xf32>
    %div3A = arith.constant 1.000000e+00 : f32
    %div3A_13 = vector.broadcast %div3A : f32 to vector<1x640xf32>
    %div3A_14 = arith.divf %div3A_13, %add3A_12 : vector<1x640xf32>
    %reshape3A = vector.shape_cast %div3A_14 : vector<1x640xf32> to vector<640x1xf32>
    %reshape3A_15 = vector.shape_cast %get3A_8 : vector<1x640xf32> to vector<640x1xf32>
    %gt3A = vector.broadcast %div3A_14 : vector<1x640xf32> to vector<640x640xf32>
    %gt3A_16 = vector.broadcast %reshape3A : vector<640x1xf32> to vector<640x640xf32>
    %gt3A_17 = arith.cmpf ogt, %gt3A, %gt3A_16 : vector<640x640xf32>
    %eq3A = vector.broadcast %div3A_14 : vector<1x640xf32> to vector<640x640xf32>
    %eq3A_18 = vector.broadcast %reshape3A : vector<640x1xf32> to vector<640x640xf32>
    %eq3A_19 = arith.cmpf oeq, %eq3A, %eq3A_18 : vector<640x640xf32>
    %lt3A = vector.broadcast %get3A_8 : vector<1x640xf32> to vector<640x640xf32>
    %lt3A_20 = vector.broadcast %reshape3A_15 : vector<640x1xf32> to vector<640x640xf32>
    %lt3A_21 = arith.cmpf olt, %lt3A, %lt3A_20 : vector<640x640xf32>
    %and3A = arith.andi %eq3A_19, %lt3A_21 : vector<640x640xi1>
    %or3A = arith.ori %gt3A_17, %and3A : vector<640x640xi1>
    %convert_element_type3A = arith.extui %or3A : vector<640x640xi1> to vector<640x640xi32>
    %convert_element_type3A_22 = arith.sitofp %convert_element_type3A : vector<640x640xi32> to vector<640x640xf32>
    %reduce_sum3A = arith.constant dense<0.000000e+00> : vector<640xf32>
    %reduce_sum3A_23 = vector.multi_reduction <add>, %convert_element_type3A_22, %reduce_sum3A [1] : vector<640x640xf32> to vector<640xf32>
    %broadcast_in_dim3A = vector.shape_cast %reduce_sum3A_23 : vector<640xf32> to vector<640x1xf32>
    %iota3A = tpu.iota {dimensions = array<i32: 1>} : vector<640x384xi32>
    %convert_element_type3A_24 = arith.sitofp %iota3A : vector<640x384xi32> to vector<640x384xf32>
    %eq3A_25 = vector.broadcast %broadcast_in_dim3A : vector<640x1xf32> to vector<640x384xf32>
    %eq3A_26 = arith.cmpf oeq, %eq3A_25, %convert_element_type3A_24 : vector<640x384xf32>
    %jit3A = arith.constant 1.000000e+00 : f32
    %jit3A_27 = arith.constant 0.000000e+00 : f32
    %broadcast_in_dim3A_28 = vector.broadcast %jit3A : f32 to vector<640x384xf32>
    %broadcast_in_dim3A_29 = vector.broadcast %jit3A_27 : f32 to vector<640x384xf32>
    %select_n3A = arith.select %eq3A_26, %broadcast_in_dim3A_28, %broadcast_in_dim3A_29 : vector<640x384xi1>, vector<640x384xf32>
    %dot_general3A = arith.constant dense<0.000000e+00> : vector<1x384xf32>
    %dot_general3A_30 = tpu.matmul %div3A_14, %select_n3A, %dot_general3A {dimension_numbers = #tpu.dot_dimension_numbers<[1], [0], [0], [1], [0, 0, 1, 1], [], []>, precision = #tpu.contract_precision<fp32>, transpose_lhs_hint = false} : vector<1x640xf32>, vector<640x384xf32>, vector<1x384xf32> -> vector<1x384xf32>
    %dot_general3A_31 = arith.constant dense<0.000000e+00> : vector<1x384xf32>
    %dot_general3A_32 = tpu.matmul %get3A_8, %select_n3A, %dot_general3A_31 {dimension_numbers = #tpu.dot_dimension_numbers<[1], [0], [0], [1], [0, 0, 1, 1], [], []>, precision = #tpu.contract_precision<fp32>, transpose_lhs_hint = false} : vector<1x640xf32>, vector<640x384xf32>, vector<1x384xf32> -> vector<1x384xf32>
    %div3A_33 = arith.constant 8.000000e+01 : f32
    %div3A_34 = vector.broadcast %div3A_33 : f32 to vector<1x384xf32>
    %div3A_35 = arith.divf %dot_general3A_32, %div3A_34 : vector<1x384xf32>
    %floor3A = math.floor %div3A_35 : vector<1x384xf32>
    %mul3A = arith.constant 8.000000e+01 : f32
    %mul3A_36 = vector.broadcast %mul3A : f32 to vector<1x384xf32>
    %mul3A_37 = arith.mulf %mul3A_36, %floor3A : vector<1x384xf32>
    %sub3A = arith.subf %dot_general3A_32, %mul3A_37 : vector<1x384xf32>
    %div3A_38 = arith.constant 4.000000e+01 : f32
    %div3A_39 = vector.broadcast %div3A_38 : f32 to vector<1x384xf32>
    %div3A_40 = arith.divf %floor3A, %div3A_39 : vector<1x384xf32>
    %floor3A_41 = math.floor %div3A_40 : vector<1x384xf32>
    %mul3A_42 = arith.constant 4.000000e+01 : f32
    %mul3A_43 = vector.broadcast %mul3A_42 : f32 to vector<1x384xf32>
    %mul3A_44 = arith.mulf %mul3A_43, %floor3A_41 : vector<1x384xf32>
    %sub3A_45 = arith.subf %floor3A, %mul3A_44 : vector<1x384xf32>
    %iota3A_46 = tpu.iota {dimensions = array<i32: 0>} : vector<40x384xi32>
    %convert_element_type3A_47 = arith.sitofp %iota3A_46 : vector<40x384xi32> to vector<40x384xf32>
    %eq3A_48 = vector.broadcast %sub3A_45 : vector<1x384xf32> to vector<40x384xf32>
    %eq3A_49 = arith.cmpf oeq, %convert_element_type3A_47, %eq3A_48 : vector<40x384xf32>
    %jit3A_50 = arith.constant 1.000000e+00 : f32
    %jit3A_51 = arith.constant 0.000000e+00 : f32
    %broadcast_in_dim3A_52 = vector.broadcast %jit3A_50 : f32 to vector<40x384xf32>
    %broadcast_in_dim3A_53 = vector.broadcast %jit3A_51 : f32 to vector<40x384xf32>
    %select_n3A_54 = arith.select %eq3A_49, %broadcast_in_dim3A_52, %broadcast_in_dim3A_53 : vector<40x384xi1>, vector<40x384xf32>
    %get3A_55 = arith.constant 0 : index
    %get3A_56 = arith.constant 0 : index
    %get3A_57 = arith.constant 0 : index
    %get3A_58 = vector.load %arg3[%get3A_55, %get3A_56, %get3A_57] : memref<1x375x40xf32, #tpu.memory_space<vmem>>, vector<1x375x40xf32>
    %get3A_59 = vector.shape_cast %get3A_58 : vector<1x375x40xf32> to vector<375x40xf32>
    %dot_general3A_60 = arith.constant dense<0.000000e+00> : vector<375x384xf32>
    %dot_general3A_61 = tpu.matmul %get3A_59, %select_n3A_54, %dot_general3A_60 {dimension_numbers = #tpu.dot_dimension_numbers<[1], [0], [0], [1], [0, 0, 1, 1], [], []>, precision = #tpu.contract_precision<fp32>, transpose_lhs_hint = false} : vector<375x40xf32>, vector<40x384xf32>, vector<375x384xf32> -> vector<375x384xf32>
    %iota3A_62 = tpu.iota {dimensions = array<i32: 0>} : vector<125x384xi32>
    %convert_element_type3A_63 = arith.sitofp %iota3A_62 : vector<125x384xi32> to vector<125x384xf32>
    %eq3A_64 = vector.broadcast %floor3A_41 : vector<1x384xf32> to vector<125x384xf32>
    %eq3A_65 = arith.cmpf oeq, %convert_element_type3A_63, %eq3A_64 : vector<125x384xf32>
    %jit3A_66 = arith.constant 1.000000e+00 : f32
    %jit3A_67 = arith.constant 0.000000e+00 : f32
    %broadcast_in_dim3A_68 = vector.broadcast %jit3A_66 : f32 to vector<125x384xf32>
    %broadcast_in_dim3A_69 = vector.broadcast %jit3A_67 : f32 to vector<125x384xf32>
    %select_n3A_70 = arith.select %eq3A_65, %broadcast_in_dim3A_68, %broadcast_in_dim3A_69 : vector<125x384xi1>, vector<125x384xf32>
    %slice3A = vector.extract_strided_slice %dot_general3A_61 {offsets = [0, 0], sizes = [125, 384], strides = [1, 1]} : vector<375x384xf32> to vector<125x384xf32>
    %mul3A_71 = arith.mulf %slice3A, %select_n3A_70 : vector<125x384xf32>
    %reduce_sum3A_72 = arith.constant dense<0.000000e+00> : vector<384xf32>
    %reduce_sum3A_73 = vector.multi_reduction <add>, %mul3A_71, %reduce_sum3A_72 [0] : vector<125x384xf32> to vector<384xf32>
    %broadcast_in_dim3A_74 = vector.shape_cast %reduce_sum3A_73 : vector<384xf32> to vector<1x384xf32>
    %slice3A_75 = vector.extract_strided_slice %dot_general3A_61 {offsets = [125, 0], sizes = [125, 384], strides = [1, 1]} : vector<375x384xf32> to vector<125x384xf32>
    %mul3A_76 = arith.mulf %slice3A_75, %select_n3A_70 : vector<125x384xf32>
    %reduce_sum3A_77 = arith.constant dense<0.000000e+00> : vector<384xf32>
    %reduce_sum3A_78 = vector.multi_reduction <add>, %mul3A_76, %reduce_sum3A_77 [0] : vector<125x384xf32> to vector<384xf32>
    %broadcast_in_dim3A_79 = vector.shape_cast %reduce_sum3A_78 : vector<384xf32> to vector<1x384xf32>
    %slice3A_80 = vector.extract_strided_slice %dot_general3A_61 {offsets = [250, 0], sizes = [125, 384], strides = [1, 1]} : vector<375x384xf32> to vector<125x384xf32>
    %mul3A_81 = arith.mulf %slice3A_80, %select_n3A_70 : vector<125x384xf32>
    %reduce_sum3A_82 = arith.constant dense<0.000000e+00> : vector<384xf32>
    %reduce_sum3A_83 = vector.multi_reduction <add>, %mul3A_81, %reduce_sum3A_82 [0] : vector<125x384xf32> to vector<384xf32>
    %broadcast_in_dim3A_84 = vector.shape_cast %reduce_sum3A_83 : vector<384xf32> to vector<1x384xf32>
    %concatenate3A = tpu.concatenate %broadcast_in_dim3A_74, %broadcast_in_dim3A_79, %broadcast_in_dim3A_84 in 0 : vector<1x384xf32>, vector<1x384xf32>, vector<1x384xf32> -> vector<3x384xf32>
    %get3A_85 = arith.constant 0 : index
    %get3A_86 = arith.constant 0 : index
    %get3A_87 = arith.constant 0 : index
    %get3A_88 = vector.load %arg4[%get3A_85, %get3A_86, %get3A_87] : memref<1x1x2xf32, #tpu.memory_space<vmem>>, vector<1x1x1xf32>
    %get3A_89 = vector.shape_cast %get3A_88 : vector<1x1x1xf32> to vector<1xf32>
    %get3A_90 = arith.constant 0 : index
    %get3A_91 = arith.constant 0 : index
    %get3A_92 = arith.constant 1 : index
    %get3A_93 = vector.load %arg4[%get3A_90, %get3A_91, %get3A_92] : memref<1x1x2xf32, #tpu.memory_space<vmem>>, vector<1x1x1xf32>
    %get3A_94 = vector.shape_cast %get3A_93 : vector<1x1x1xf32> to vector<1xf32>
    %add3A_95 = arith.addf %get3A_94, %get3A_89 : vector<1xf32>
    %mul3A_96 = arith.constant 5.000000e-01 : f32
    %mul3A_97 = vector.broadcast %mul3A_96 : f32 to vector<1xf32>
    %mul3A_98 = arith.mulf %add3A_95, %mul3A_97 : vector<1xf32>
    %slice3A_99 = vector.extract_strided_slice %concatenate3A {offsets = [0, 0], sizes = [1, 384], strides = [1, 1]} : vector<3x384xf32> to vector<1x384xf32>
    %slice3A_100 = vector.extract_strided_slice %concatenate3A {offsets = [1, 0], sizes = [1, 384], strides = [1, 1]} : vector<3x384xf32> to vector<1x384xf32>
    %slice3A_101 = vector.extract_strided_slice %concatenate3A {offsets = [2, 0], sizes = [1, 384], strides = [1, 1]} : vector<3x384xf32> to vector<1x384xf32>
    %swap3A = arith.constant 0 : index
    %swap3A_102 = arith.constant 9 : index
    %swap3A_103 = arith.constant 0 : index
    %swap3A_104 = vector.load %arg5[%swap3A, %swap3A_102, %swap3A_103] : memref<1x16x384xf32, #tpu.memory_space<vmem>>, vector<1x1x384xf32>
    %swap3A_105 = vector.shape_cast %swap3A_104 : vector<1x1x384xf32> to vector<1x384xf32>
    %swap3A_106 = vector.shape_cast %dot_general3A_30 : vector<1x384xf32> to vector<1x1x384xf32>
    tpu.vector_store %arg5[%swap3A, %swap3A_102, %swap3A_103], %swap3A_106 {strides = array<i32>} : memref<1x16x384xf32, #tpu.memory_space<vmem>>, vector<1x1x384xf32>,
    %swap3A_107 = arith.constant 0 : index
    %swap3A_108 = arith.constant 0 : index
    %swap3A_109 = arith.constant 0 : index
    %swap3A_110 = vector.load %arg5[%swap3A_107, %swap3A_108, %swap3A_109] : memref<1x16x384xf32, #tpu.memory_space<vmem>>, vector<1x1x384xf32>
    %swap3A_111 = vector.shape_cast %swap3A_110 : vector<1x1x384xf32> to vector<1x384xf32>
    %swap3A_112 = vector.shape_cast %sub3A : vector<1x384xf32> to vector<1x1x384xf32>
    tpu.vector_store %arg5[%swap3A_107, %swap3A_108, %swap3A_109], %swap3A_112 {strides = array<i32>} : memref<1x16x384xf32, #tpu.memory_space<vmem>>, vector<1x1x384xf32>,
    %swap3A_113 = arith.constant 0 : index
    %swap3A_114 = arith.constant 1 : index
    %swap3A_115 = arith.constant 0 : index
    %swap3A_116 = vector.load %arg5[%swap3A_113, %swap3A_114, %swap3A_115] : memref<1x16x384xf32, #tpu.memory_space<vmem>>, vector<1x1x384xf32>
    %swap3A_117 = vector.shape_cast %swap3A_116 : vector<1x1x384xf32> to vector<1x384xf32>
    %swap3A_118 = vector.shape_cast %floor3A : vector<1x384xf32> to vector<1x1x384xf32>
    tpu.vector_store %arg5[%swap3A_113, %swap3A_114, %swap3A_115], %swap3A_118 {strides = array<i32>} : memref<1x16x384xf32, #tpu.memory_space<vmem>>, vector<1x1x384xf32>,
    %broadcast_in_dim3A_119 = vector.shape_cast %get3A_94 : vector<1xf32> to vector<1x1xf32>
    %mul3A_120 = vector.broadcast %broadcast_in_dim3A_119 : vector<1x1xf32> to vector<1x384xf32>
    %mul3A_121 = arith.mulf %slice3A_99, %mul3A_120 : vector<1x384xf32>
    %swap3A_122 = arith.constant 0 : index
    %swap3A_123 = arith.constant 2 : index
    %swap3A_124 = arith.constant 0 : index
    %swap3A_125 = vector.load %arg5[%swap3A_122, %swap3A_123, %swap3A_124] : memref<1x16x384xf32, #tpu.memory_space<vmem>>, vector<1x1x384xf32>
    %swap3A_126 = vector.shape_cast %swap3A_125 : vector<1x1x384xf32> to vector<1x384xf32>
    %swap3A_127 = vector.shape_cast %mul3A_121 : vector<1x384xf32> to vector<1x1x384xf32>
    tpu.vector_store %arg5[%swap3A_122, %swap3A_123, %swap3A_124], %swap3A_127 {strides = array<i32>} : memref<1x16x384xf32, #tpu.memory_space<vmem>>, vector<1x1x384xf32>,
    %broadcast_in_dim3A_128 = vector.shape_cast %get3A_89 : vector<1xf32> to vector<1x1xf32>
    %mul3A_129 = vector.broadcast %broadcast_in_dim3A_128 : vector<1x1xf32> to vector<1x384xf32>
    %mul3A_130 = arith.mulf %slice3A_100, %mul3A_129 : vector<1x384xf32>
    %swap3A_131 = arith.constant 0 : index
    %swap3A_132 = arith.constant 3 : index
    %swap3A_133 = arith.constant 0 : index
    %swap3A_134 = vector.load %arg5[%swap3A_131, %swap3A_132, %swap3A_133] : memref<1x16x384xf32, #tpu.memory_space<vmem>>, vector<1x1x384xf32>
    %swap3A_135 = vector.shape_cast %swap3A_134 : vector<1x1x384xf32> to vector<1x384xf32>
    %swap3A_136 = vector.shape_cast %mul3A_130 : vector<1x384xf32> to vector<1x1x384xf32>
    tpu.vector_store %arg5[%swap3A_131, %swap3A_132, %swap3A_133], %swap3A_136 {strides = array<i32>} : memref<1x16x384xf32, #tpu.memory_space<vmem>>, vector<1x1x384xf32>,
    %broadcast_in_dim3A_137 = vector.shape_cast %mul3A_98 : vector<1xf32> to vector<1x1xf32>
    %mul3A_138 = vector.broadcast %broadcast_in_dim3A_137 : vector<1x1xf32> to vector<1x384xf32>
    %mul3A_139 = arith.mulf %slice3A_101, %mul3A_138 : vector<1x384xf32>
    %swap3A_140 = arith.constant 0 : index
    %swap3A_141 = arith.constant 4 : index
    %swap3A_142 = arith.constant 0 : index
    %swap3A_143 = vector.load %arg5[%swap3A_140, %swap3A_141, %swap3A_142] : memref<1x16x384xf32, #tpu.memory_space<vmem>>, vector<1x1x384xf32>
    %swap3A_144 = vector.shape_cast %swap3A_143 : vector<1x1x384xf32> to vector<1x384xf32>
    %swap3A_145 = vector.shape_cast %mul3A_139 : vector<1x384xf32> to vector<1x1x384xf32>
    tpu.vector_store %arg5[%swap3A_140, %swap3A_141, %swap3A_142], %swap3A_145 {strides = array<i32>} : memref<1x16x384xf32, #tpu.memory_space<vmem>>, vector<1x1x384xf32>,
    %sub3A_146 = arith.subf %slice3A_99, %slice3A_101 : vector<1x384xf32>
    %broadcast_in_dim3A_147 = vector.shape_cast %get3A_94 : vector<1xf32> to vector<1x1xf32>
    %mul3A_148 = vector.broadcast %broadcast_in_dim3A_147 : vector<1x1xf32> to vector<1x384xf32>
    %mul3A_149 = arith.mulf %sub3A_146, %mul3A_148 : vector<1x384xf32>
    %swap3A_150 = arith.constant 0 : index
    %swap3A_151 = arith.constant 5 : index
    %swap3A_152 = arith.constant 0 : index
    %swap3A_153 = vector.load %arg5[%swap3A_150, %swap3A_151, %swap3A_152] : memref<1x16x384xf32, #tpu.memory_space<vmem>>, vector<1x1x384xf32>
    %swap3A_154 = vector.shape_cast %swap3A_153 : vector<1x1x384xf32> to vector<1x384xf32>
    %swap3A_155 = vector.shape_cast %mul3A_149 : vector<1x384xf32> to vector<1x1x384xf32>
    tpu.vector_store %arg5[%swap3A_150, %swap3A_151, %swap3A_152], %swap3A_155 {strides = array<i32>} : memref<1x16x384xf32, #tpu.memory_space<vmem>>, vector<1x1x384xf32>,
    %sub3A_156 = arith.subf %slice3A_100, %slice3A_101 : vector<1x384xf32>
    %broadcast_in_dim3A_157 = vector.shape_cast %get3A_89 : vector<1xf32> to vector<1x1xf32>
    %mul3A_158 = vector.broadcast %broadcast_in_dim3A_157 : vector<1x1xf32> to vector<1x384xf32>
    %mul3A_159 = arith.mulf %sub3A_156, %mul3A_158 : vector<1x384xf32>
    %swap3A_160 = arith.constant 0 : index
    %swap3A_161 = arith.constant 6 : index
    %swap3A_162 = arith.constant 0 : index
    %swap3A_163 = vector.load %arg5[%swap3A_160, %swap3A_161, %swap3A_162] : memref<1x16x384xf32, #tpu.memory_space<vmem>>, vector<1x1x384xf32>
    %swap3A_164 = vector.shape_cast %swap3A_163 : vector<1x1x384xf32> to vector<1x384xf32>
    %swap3A_165 = vector.shape_cast %mul3A_159 : vector<1x384xf32> to vector<1x1x384xf32>
    tpu.vector_store %arg5[%swap3A_160, %swap3A_161, %swap3A_162], %swap3A_165 {strides = array<i32>} : memref<1x16x384xf32, #tpu.memory_space<vmem>>, vector<1x1x384xf32>,
    %add3A_166 = arith.addf %slice3A_99, %slice3A_101 : vector<1x384xf32>
    %broadcast_in_dim3A_167 = vector.shape_cast %get3A_94 : vector<1xf32> to vector<1x1xf32>
    %mul3A_168 = vector.broadcast %broadcast_in_dim3A_167 : vector<1x1xf32> to vector<1x384xf32>
    %mul3A_169 = arith.mulf %add3A_166, %mul3A_168 : vector<1x384xf32>
    %swap3A_170 = arith.constant 0 : index
    %swap3A_171 = arith.constant 7 : index
    %swap3A_172 = arith.constant 0 : index
    %swap3A_173 = vector.load %arg5[%swap3A_170, %swap3A_171, %swap3A_172] : memref<1x16x384xf32, #tpu.memory_space<vmem>>, vector<1x1x384xf32>
    %swap3A_174 = vector.shape_cast %swap3A_173 : vector<1x1x384xf32> to vector<1x384xf32>
    %swap3A_175 = vector.shape_cast %mul3A_169 : vector<1x384xf32> to vector<1x1x384xf32>
    tpu.vector_store %arg5[%swap3A_170, %swap3A_171, %swap3A_172], %swap3A_175 {strides = array<i32>} : memref<1x16x384xf32, #tpu.memory_space<vmem>>, vector<1x1x384xf32>,
    %add3A_176 = arith.addf %slice3A_100, %slice3A_101 : vector<1x384xf32>
    %broadcast_in_dim3A_177 = vector.shape_cast %get3A_89 : vector<1xf32> to vector<1x1xf32>
    %mul3A_178 = vector.broadcast %broadcast_in_dim3A_177 : vector<1x1xf32> to vector<1x384xf32>
    %mul3A_179 = arith.mulf %add3A_176, %mul3A_178 : vector<1x384xf32>
    %swap3A_180 = arith.constant 0 : index
    %swap3A_181 = arith.constant 8 : index
    %swap3A_182 = arith.constant 0 : index
    %swap3A_183 = vector.load %arg5[%swap3A_180, %swap3A_181, %swap3A_182] : memref<1x16x384xf32, #tpu.memory_space<vmem>>, vector<1x1x384xf32>
    %swap3A_184 = vector.shape_cast %swap3A_183 : vector<1x1x384xf32> to vector<1x384xf32>
    %swap3A_185 = vector.shape_cast %mul3A_179 : vector<1x384xf32> to vector<1x1x384xf32>
    tpu.vector_store %arg5[%swap3A_180, %swap3A_181, %swap3A_182], %swap3A_185 {strides = array<i32>} : memref<1x16x384xf32, #tpu.memory_space<vmem>>, vector<1x1x384xf32>,
    return
  }
  func.func @transform_0(%arg0: i32) -> (i32, i32, i32) {
    %c0_i32 = arith.constant 0 : i32
    %c0_i32_0 = arith.constant 0 : i32
    %c0_i32_1 = arith.constant 0 : i32
    return %arg0, %c0_i32, %c0_i32_0 : i32, i32, i32
  }
  func.func @transform_1(%arg0: i32) -> (i32, i32, i32) {
    %c0_i32 = arith.constant 0 : i32
    %c0_i32_0 = arith.constant 0 : i32
    %c0_i32_1 = arith.constant 0 : i32
    return %arg0, %c0_i32, %c0_i32_0 : i32, i32, i32
  }
  func.func @transform_2(%arg0: i32) -> (i32, i32, i32) {
    %c0_i32 = arith.constant 0 : i32
    %c0_i32_0 = arith.constant 0 : i32
    %c0_i32_1 = arith.constant 0 : i32
    return %arg0, %c0_i32, %c0_i32_0 : i32, i32, i32
  }
  func.func @transform_3(%arg0: i32) -> (i32, i32, i32) {
    %c0_i32 = arith.constant 0 : i32
    %c0_i32_0 = arith.constant 0 : i32
    %c0_i32_1 = arith.constant 0 : i32
    return %arg0, %c0_i32, %c0_i32_0 : i32, i32, i32
  }
  func.func @transform_4(%arg0: i32) -> (i32, i32, i32) {
    %c0_i32 = arith.constant 0 : i32
    %c0_i32_0 = arith.constant 0 : i32
    %c0_i32_1 = arith.constant 0 : i32
    return %arg0, %c0_i32, %c0_i32_0 : i32, i32, i32
  }
}

</mosaic_0001>

<sc_bundles>
// kernel: kernel.4.cloned.1.call-start
scs
__scs_entry_jumppad:
0x0: {  	(pc) =	sbr.rel $0x88, $3  }
0x1: {  	(tag) =	ssettag $0x0;
	lr =	simm.s32 $0x1  }
0x2: {  	[smem:$0x3F9E] =	sst lr;
	_ =	strace $0xD0000000  }
0x3: {  	_ = 	snop  }
0x4: {  	_ = 	snop  }
0x5: {  	_ = 	snop  }
0x6: {  	_ = 	snop  }
0x7: {  	_ = 	snop  }
__scs_overlays_trampoline_lowered:
0x8: {  	[smem:$0x3FAD] =	sst s0  }
0x9: {  	[smem:$0x3FAE] =	sst s1  }
0xa: {  	[smem:$0x3FAF] =	sst s2  }
0xb: {  	[smem:$0x3FB0] =	sst s3  }
0xc: {  	[smem:$0x3FB1] =	sst s4  }
0xd: {  	[smem:$0x3FB2] =	sst s5  }
0xe: {  	[smem:$0x3FB3] =	sst s6  }
0xf: {  	[smem:$0x3FB4] =	sst s7  }
0x10: {  	[smem:$0x3FB5] =	sst s8  }
0x11: {  	[smem:$0x3FB6] =	sst s9;
	s0 =	simm.s32 @!p0 $0x0  }
0x12: {  	s1 =	sld [smem:$0x3F9C];
	s0 =	simm.s32 @p0 $0x1  }
0x13: {  	[smem:$0x3FB7] =	sst s0;
	s0 =	simm.s32 @!p1 $0x0  }
0x14: {  	s2 =	sld [smem:$0x3F9B];
	s0 =	simm.s32 @p1 $0x1  }
0x15: {  	[smem:$0x3FB8] =	sst s0;
	s0 =	simm.s32 @!p2 $0x0  }
0x16: {  	s3 =	sld [smem:$0x3FDB];
	s0 =	simm.s32 @p2 $0x1  }
0x17: {  	s4 =	simm.s32 $0x1BF5;
	[smem:$0x3FBA] =	sst s0  }
0x18: {  	s0 =	sld [smem:$0x3F9D];
	_ =	swait.ge [sflag:s4], $0x0  }
0x19: {  	s7 =	sld [smem:$0x3F9E]  }
0x1a: {  	s8 =	sadd.s32 $0xFFFFE003, lr  }
0x1b: {  	s9 =	sadd.s32 $0xFFFFFEF7, lr;
	s5 =	simm.s32 $0xFFFFFFFF;
	p2 =	slt.u32 s8, $0xFFFFF086  }
0x1c: {  	p1 =	slt.u32 s9, $0xF7A;
	s5 =	simm.s32 @!p2 $0x0  }
0x1d: {  	s5 =	simm.s32 @p1 $0x1;
	p0 =	seq.s32 s7, s2  }
0x1e: {  	s7 =	smul.u32 @!p0 $0xF7A, s2;
	p2 =	seq.s32 @!p0 s5, $0x0  }
0x1f: {  	s9 =	smul.u32 $0xF7A, s1;
	s8 =	simm.s32 @!p0 $0x1BF5;
	p2 =	por !p2, p0  }
0x20: {  	[sflag:s8] =	ssyncset.s32 @!p0 $0xFFFFF086;
	s6 =	sadd.s32 @!p0 s3, s7;
	s7 =	simm.s32 @!p0 $0x108  }
0x21: {  	s3 =	sadd.s32 s3, s9;
	s6 =	sadd.s32 @!p0 $0x88, s6;
	s7 =	simm.s32 @p2 $0x1082  }
0x22: {  	[simem:s7], [sflag:s8] =	dma.local @!p0 [hbm:s6], $0xF7A  }
0x23: {  	s9 =	sor.u32 $0xD0000000, s2;
	s6 =	simm.s32 $0x108;
	_ =	swait.ge @!p0 [sflag:s8], $0x0  }
0x24: {  	s3 =	sadd.s32 $0x88, s3;
	s6 =	simm.s32 @!p1 $0x1082;
	[sflag:s4] =	ssyncset.s32 $0xFFFFF086  }
0x25: {  	[simem:s6], [sflag:s4] =	dma.local [hbm:s3], $0xF7A  }
0x26: {  	[smem:$0x3F9E] =	sst s1;
	(tag) =	ssettag s2;
	_ =	strace s9  }
0x27: {  	s1 =	sld [smem:$0x3FAE]  }
0x28: {  	s2 =	sld [smem:$0x3FAF]  }
0x29: {  	s4 =	sld [smem:$0x3FB1]  }
0x2a: {  	p0 =	seq.s32 s5, $0x0;
	s5 =	sld [smem:$0x3FB2]  }
0x2b: {  	s6 =	sld [smem:$0x3FB3]  }
0x2c: {  	s7 =	sld [smem:$0x3FB4]  }
0x2d: {  	s3 =	simm.s32 $0x108;
	s8 =	sld [smem:$0x3FB5]  }
0x2e: {  	s3 =	simm.s32 @!p0 $0x1082;
	s9 =	sld [smem:$0x3FB6]  }
0x2f: {  	lr =	sadd.s32 s0, s3;
	s0 =	sld [smem:$0x3FAD]  }
0x30: {  	s3 =	sld [smem:$0x3FB0]  }
0x31: {  	[smem:$0x3FB9] =	sst s10  }
0x32: {  	s10 =	sld [smem:$0x3FB7];
	_ =	sdelay $0x3  }
0x33: {  	p0 =	seq.s32 s10, $0x1;
	s10 =	sld [smem:$0x3FB9];
	_ =	sdelay $0x3  }
0x34: {  	[smem:$0x3FB9] =	sst s10  }
0x35: {  	s10 =	sld [smem:$0x3FB8];
	_ =	sdelay $0x3  }
0x36: {  	p1 =	seq.s32 s10, $0x1;
	s10 =	sld [smem:$0x3FB9];
	_ =	sdelay $0x3  }
0x37: {  	[smem:$0x3FB9] =	sst s10  }
0x38: {  	s10 =	sld [smem:$0x3FBA]  }
0x39: {  	_ = 	snop;
	(pc) =	sbr.ind lr, $3  }
0x3a: {  	_ = 	snop  }
0x3b: {  	_ = 	snop  }
0x3c: {  	p2 =	seq.s32 s10, $0x1;
	s10 =	sld [smem:$0x3FB9]  }
0x3d: {  	_ =	shalt  }
0x3e: {  	_ =	shalt  }
0x3f: {  	_ =	shalt  }
0x40: {  	_ =	shalt  }
0x41: {  	_ =	shalt  }
0x42: {  	_ =	shalt  }
0x43: {  	_ =	shalt  }
0x44: {  	_ =	shalt  }
0x45: {  	_ =	shalt  }
0x46: {  	_ =	shalt  }
0x47: {  	_ =	shalt  }
0x48: {  	_ =	shalt  }
0x49: {  	_ =	shalt  }
0x4a: {  	_ =	shalt  }
0x4b: {  	_ =	shalt  }
0x4c: {  	_ =	shalt  }
0x4d: {  	_ =	shalt  }
0x4e: {  	_ =	shalt  }
0x4f: {  	_ =	shalt  }
0x50: {  	_ =	shalt  }
0x51: {  	_ =	shalt  }
0x52: {  	_ =	shalt  }
0x53: {  	_ =	shalt  }
0x54: {  	_ =	shalt  }
0x55: {  	_ =	shalt  }
0x56: {  	_ =	shalt  }
0x57: {  	_ =	shalt  }
0x58: {  	_ =	shalt  }
0x59: {  	_ =	shalt  }
0x5a: {  	_ =	shalt  }
0x5b: {  	_ =	shalt  }
0x5c: {  	_ =	shalt  }
0x5d: {  	_ =	shalt  }
0x5e: {  	_ =	shalt  }
0x5f: {  	_ =	shalt  }
0x60: {  	_ =	shalt  }
0x61: {  	_ =	shalt  }
0x62: {  	_ =	shalt  }
0x63: {  	_ =	shalt  }
0x64: {  	_ =	shalt  }
0x65: {  	_ =	shalt  }
0x66: {  	_ =	shalt  }
0x67: {  	_ =	shalt  }
0x68: {  	_ =	shalt  }
0x69: {  	_ =	shalt  }
0x6a: {  	_ =	shalt  }
0x6b: {  	_ =	shalt  }
0x6c: {  	_ =	shalt  }
0x6d: {  	_ =	shalt  }
0x6e: {  	_ =	shalt  }
0x6f: {  	_ =	shalt  }
0x70: {  	_ =	shalt  }
0x71: {  	_ =	shalt  }
0x72: {  	_ =	shalt  }
0x73: {  	_ =	shalt  }
0x74: {  	_ =	shalt  }
0x75: {  	_ =	shalt  }
0x76: {  	_ =	shalt  }
0x77: {  	_ =	shalt  }
0x78: {  	_ =	shalt  }
0x79: {  	_ =	shalt  }
0x7a: {  	_ =	shalt  }
0x7b: {  	_ =	shalt  }
0x7c: {  	_ =	shalt  }
0x7d: {  	_ =	shalt  }
0x7e: {  	_ =	shalt  }
0x7f: {  	_ =	shalt  }
0x80: {  	_ =	shalt  }
0x81: {  	_ =	shalt  }
0x82: {  	_ =	shalt  }
0x83: {  	_ =	shalt  }
0x84: {  	_ =	shalt  }
0x85: {  	_ =	shalt  }
0x86: {  	_ =	shalt  }
0x87: {  	_ =	shalt  }
.Lfunc_end0:
.L_simem_size_0:
called_computation_lowered:
.L_overlay_start_0:
0x88: {  	s2 =	sld [smem:$0x3FD9]  }
0x89: {  	s3 =	sld [smem:$0x3FFE];
	_ =	sdelay $0x1  }
0x8a: {  	s1 =	srdreg.scid  }
0x8b: {  	s0 =	sand.u32 $0x1, s1  }
0x8c: {  	s14 =	sshll.u32 s0, $0xA;
	s2 =	sadd.s32 s3, s2  }
0x8d: {  	s2 =	sadd.s32 s2, s14  }
0x8e: {  	[smem:$0x3FC5] =	sst s2  }
0x8f: {  	_ = 	snop  }
0x90: {  	s2 =	sld [smem:$0x3FD0];
	_ =	sdelay $0x2  }
0x91: {  	s15 =	simm.s32 $0xA;
	s4 =	simm.s32 $0x10  }
0x92: {  	[smem:s4], [sflag:s15] =	dma.local [hbm:s2], $0x1  }
0x93: {  	_ =	swait.eq [sflag:s15], $0x1  }
0x94: {  	[sflag:s15] =	ssyncset.done $0x0  }
0x95: {  	s16 =	sld [smem:$0x12];
	[sflag:s15] =	ssyncadd.s32 $0xFFFFFFFF  }
0x96: {  	s17 =	sld [smem:$0x13];
	(tm) =	ssettm $0x1  }
0x97: {  	s18 =	sld [smem:$0x3FFB];
	_ =	sdelay $0x3  }
0x98: {  	_ =	strace s18  }
0x99: {  	s4 =	sld [smem:$0x3FFC];
	_ =	sdelay $0x3  }
0x9a: {  	_ =	strace s4  }
0x9b: {  	s4 =	sld [smem:$0x3FFD];
	_ =	sdelay $0x3  }
0x9c: {  	_ =	strace s4  }
0x9d: {  	_ =	strace $0x8FFFFFFF  }
0x9e: {  	s19 =	sld [smem:$0x3FDB];
	_ =	sdelay $0x1  }
0x9f: {  	s5 =	simm.s32 $_scs_section_size  }
0xa0: {  	s6 =	simm.s32 $_size__tile_overlayer_lowered;
	s7 =	simm.s32 $_tile_overlayer_lowered  }
0xa1: {  	s22 =	simm.s32 $0x1BFF;
	s21 =	sshll.u32 s7, $0x1;
	s4 =	sadd.s32 s5, s19  }
0xa2: {  	s8 =	simm.s32 $0x0;
	s20 =	sshll.u32 s6, $0x1;
	s6 =	sadd.s32 s21, s4  }
0xa3: {  	[timem:s8], [sflag:s22] =	dma.local [hbm:s6], s20  }
0xa4: {  	_ =	swait.ge [sflag:s22], s20  }
0xa5: {  	s5 =	ssub.s32 $0x0, s20;
	[sflag:s22] =	ssyncset.done $0x0  }
0xa6: {  	[sflag:s22] =	ssyncadd.s32 s5;
	_ =	sdelay $0x1  }
0xa7: {  	s23 =	simm.s32 $0x1B8B  }
0xa8: {  	_ =	swait.ge [sflag:s23], $0x1  }
0xa9: {  	[sflag:s23] =	ssyncset.done $0x0  }
0xaa: {  	s25 =	simm.s32 $0x1B8E;
	s24 =	sld [smem:$0x3FFE];
	[sflag:s23] =	ssyncadd.s32 $0xFFFFFFFF  }
0xab: {  	s26 =	simm.s32 $execute0_lowered;
	[smem:$0x3FD2] =	sst s25  }
0xac: {  	s6 =	sshll.u32 s26, $0x1;
	_ =	strace $0x80000046;
	[dreg:$0x1] =	wrdreg $0xFFFFFFFF  }
0xad: {  	s28 =	simm.s32 $_size_execute0_lowered;
	s4 =	sadd.s32 s4, s6;
	[dreg:$0x0] =	wrdreg $0x0  }
0xae: {  	s6 =	sshll.u32 s28, $0x1;
	[dreg:$0x2] =	wrdreg s4  }
0xaf: {  	[dreg:$0x3] =	wrdreg s6  }
0xb0: {  	[dreg:$0x4] =	wrdreg $0xC0  }
0xb1: {  	_ =	task [dreg:s8], $0x5FFFF  }
0xb2: {  	[dreg:$0x1] =	wrdreg $0xFFFFFFFF  }
0xb3: {  	[dreg:$0x0] =	wrdreg $0x60  }
0xb4: {  	[dreg:$0x2] =	wrdreg s24  }
0xb5: {  	[dreg:$0x3] =	wrdreg s16  }
0xb6: {  	[dreg:$0x4] =	wrdreg s17  }
0xb7: {  	[dreg:$0x5] =	wrdreg $0x9  }
0xb8: {  	_ =	task.clear_ibuf [dreg:s8], $0x6FFFF;
	_ =	strace $0x90000046  }
0xb9: {  	s29 =	simm.s32 $0x9;
	_ =	strace $0x80000048  }
0xba: {  	_ =	swait.ge [sflag:s29], $0x1  }
0xbb: {  	[sflag:s29] =	ssyncadd.s32 $0xFFFFFFFF  }
0xbc: {  	_ =	strace $0x90000048  }
0xbd: {  	_ =	sfence  }
0xbe: {  	s30 =	sld [smem:$0x0];
	_ =	sdelay $0x2  }
0xbf: {  	s31 =	sshll.u32 s1, $0xD;
	s1 =	sshrl.u32 s1, $0x2  }
0xc0: {  	s3 =	sand.u32 $0x4000, s31;
	s1 =	sadd.s32 s1, s30  }
0xc1: {  	s0 =	sor.u32 s3, s0;
	s1 =	sshll.u32 s1, $0x11  }
0xc2: {  	s0 =	sor.u32 s1, s0  }
0xc3: {  	s0 =	sadd.s32 $0x8F2B, s0  }
0xc4: {  	[sflag:s0] =	ssyncadd.remote.s32 $0x1  }
0xc5: {  	_ =	sfence.sel $0xFFFF  }
0xc6: {  	[dreg:$0x0] =	wrdreg $0xFFFFFFFF;
	(pc) =	sbr.abs _section_cstart, $3  }
0xc7: {  	[dreg:$0x1] =	wrdreg $0xFFFFFFFF  }
0xc8: {  	_ =	task.clear_ibuf [dreg:s8], $0x2FFFF;
	_ =	strace $0x9FFFFFFF  }
0xc9: {  	(tm) =	ssettm $0x7FFFFFFF  }
tec
execute0_lowered:
.L_overlay_start_1:
0x0: {  	(tag) =	ssettag $0x1  }
0x1: {  	s3 =	rddreg [dreg:$0x0]  }
0x2: {  	s5 =	rddreg [dreg:$0x1]  }
0x3: {  	s6 =	rddreg [dreg:$0x2]  }
0x4: {  	s2 =	srdreg.scid;
	s1 =	stileid.u32  }
0x5: {  	s0 =	rddreg [dreg:$0x3];
	s10 =	simm.s32 $0x1A280;
	s11 =	simm.s32 $0x1A500  }
0x6: {  	s12 =	simm.s32 $0x0;
	s4 =	sand.u32 $0x1, s2;
	s7 =	sshll.u32 s1, $0x1  }
0x7: {  	s2 =	simm.s32 $0x0;
	s8 =	ssub.s32 $0x2, s4;
	s4 =	sor.u32 s4, s7  }
0x8: {  	s3 =	sadd.s32 $0x272200, s3;
	[smem:$0x7FF] =	sst s2;
	s9 =	smul.u32 $0x50, s4  }
0x9: {  	s31 =	sshrl.u32 s8, $0x1;
	_ =	strace $0x80000047;
	s4 =	smul.u32 $0x61A80, s4  }
0xa: {  	v0 =	vimm.f32 $0.0e+00;
	v1 =	vimm.f32 $-1.000000020e+30;
	s7 =	ssub.s32 s8, s31;
	s8 =	simm.s32 $0x1;
	s5 =	sadd.s32 s5, s9  }
0xb: {  	v2 =	vlaneseq.u32;
	v3 =	vimm.f32 $1.000000000e+00;
	v4 =	vimm.s32 $0x0;
	s6 =	sadd.s32 s6, s9;
	s7 =	smax.u32 s7, $0x1;
	s9 =	simm.s32 $0x9C80  }
.LBB2_1:
0xc: {  	s13 =	simm.s32 $0x0  }
.LBB2_2:
0xd: {  	p0 =	sne.s32 s13, $0x417C0  }
.Ltmp0:
0xe: {  	_ = 	snop;
	(pc) =	sbr.rel @p0 .LBB2_2-.Ltmp0, $3  }
0xf: {  	_ =	sdelay $0x1  }
0x10: {  	s14 =	sshra.s32 s13, $0x2  }
0x11: {  	s13 =	sadd.s32 $0x40, s13;
	[tilespmem:s14+$0x9C80] =	vst v0  }
0x12: {  	s13 =	simm.s32 $0x1000000;
	s14 =	simm.s32 $0x1A280;
	s15 =	simm.s32 $0x1A500  }
.LBB2_4:
0x13: {  	p0 =	sne.s32 s13, $0x1000270  }
.Ltmp1:
0x14: {  	_ = 	snop;
	(pc) =	sbr.rel @p0 .LBB2_4-.Ltmp1, $3  }
0x15: {  	_ =	sdelay $0x1  }
0x16: {  	[tilespmem:s14+$0x0] =	vst v1;
	v5 =	vor.u32 s13, v2  }
0x17: {  	s14 =	sadd.s32 $0x10, s14;
	s13 =	sadd.s32 $0x10, s13;
	[tilespmem:s15+$0x0] =	vst v5;
	s15 =	sadd.s32 $0x10, s15  }
0x18: {  	s13 =	simm.s32 $0x0  }
.LBB2_6:
0x19: {  	s14 =	smul.u32 $0x9C40, s13;
	_ =	sdelay $0x1  }
0x1a: {  	s14 =	sadd.s32 s4, s14  }
0x1b: {  	s14 =	sshrl.u32 s14, $0x3  }
0x1c: {  	s14 =	sadd.s32 s3, s14  }
0x1d: {  	[tilespmem:s2], [sflag:$0x1] =	stream.linear.gather [hbm4b:s14+s2], $0x9C40, $0x38;
	[tilespmem:$0x1A780] =	vst v63  }
0x1e: {  	_ =	swait.ge [sflag:s8], $0x9C40  }
0x1f: {  	[sflag:s8] =	ssyncset.done $0x0  }
0x20: {  	s31 =	simm.s32 $0x40;
	[sflag:s8] =	ssyncadd.s32 $0xFFFF63C0  }
0x21: {  	v5 =	vld [tilespmem:s31+$0x30]  }
0x22: {  	v6 =	vld [tilespmem:s31+$0xFFFFFFD0]  }
0x23: {  	v7 =	vld [tilespmem:s31+$0xFFFFFFE0]  }
0x24: {  	v8 =	vld [tilespmem:s31+$0xFFFFFFF0]  }
0x25: {  	v9 =	vld [tilespmem:s31+$0x0]  }
0x26: {  	v10 =	vld [tilespmem:s31+$0x10];
	_ =	sdelay $0x1  }
0x27: {  	v5 =	vshra.s32 v5, $0x12  }
0x28: {  	v11 =	vld [tilespmem:s31+$0x20];
	v6 =	vshra.s32 v6, $0x12;
	vm0 =	vgt.s32 v5, $0x0  }
0x29: {  	v12 =	vld [tilespmem:s31+$0xFFFFFFC0];
	v7 =	vshra.s32 v7, $0x12;
	v8 =	vshra.s32 v8, $0x12;
	v5 =	vnsel vm0, $0x0, v5  }
0x2a: {  	v9 =	vshra.s32 v9, $0x12;
	v10 =	vshra.s32 v10, $0x12;
	v5 =	vmin.u32 v5, $0x105F  }
0x2b: {  	vm1 =	vgt.s32 v6, $0x0;
	vm13 =	vgt.s32 v7, $0x0;
	v5 =	vshll.u32 v5, $0x4  }
0x2c: {  	vm2 =	vgt.s32 v8, $0x0;
	vm3 =	vgt.s32 v9, $0x0;
	v13 =	vor.u32 v2, v5  }
0x2d: {  	vm14 =	vgt.s32 v10, $0x0;
	v14 =	vnsel vm1, $0x0, v6;
	v63 =	vnsel vm13, $0x0, v7  }
0x2e: {  	v7 =	vnsel vm2, $0x0, v8;
	v5 =	vshra.s32 v11, $0x12;
	v11 =	vshra.s32 v12, $0x12  }
0x2f: {  	v6 =	vnsel vm3, $0x0, v9;
	vm15 =	vgt.s32 v5, $0x0;
	vm4 =	vgt.s32 v11, $0x0  }
0x30: {  	v8 =	vnsel vm14, $0x0, v10;
	v9 =	vnsel vm4, $0x0, v11;
	v5 =	vnsel vm15, $0x0, v5  }
0x31: {  	s15 =	simm.s32 $0xC0;
	s14 =	simm.s32 $0x0;
	v11 =	vmin.u32 v14, $0x105F;
	v10 =	vmin.u32 v9, $0x105F;
	v9 =	vmin.u32 v63, $0x105F;
	[tilespmem:v13+s9+$0x0] =	vst.idx.add.f32.msk $0xffff, v3  }
.LBB2_7:
0x32: {  	v12 =	vld [tilespmem:s15+$0x30];
	s14 =	sadd.s32 $0x8, s14;
	v7 =	vmin.u32 v7, $0x105F;
	v6 =	vmin.u32 v6, $0x105F;
	v8 =	vmin.u32 v8, $0x105F  }
0x33: {  	v10 =	vshll.u32 v10, $0x4;
	v11 =	vshll.u32 v11, $0x4;
	v5 =	vmin.u32 v5, $0x105F;
	v13 =	vld [tilespmem:s15+$0xFFFFFFD0];
	p0 =	slt.u32 s14, $0x9B8  }
0x34: {  	v9 =	vshll.u32 v9, $0x4;
	v7 =	vshll.u32 v7, $0x4;
	v6 =	vshll.u32 v6, $0x4;
	v14 =	vld [tilespmem:s15+$0xFFFFFFE0]  }
0x35: {  	v10 =	vor.u32 v2, v10;
	v8 =	vshll.u32 v8, $0x4;
	v5 =	vshll.u32 v5, $0x4;
	v15 =	vld [tilespmem:s15+$0xFFFFFFF0]  }
0x36: {  	v11 =	vor.u32 v2, v11;
	v9 =	vor.u32 v2, v9;
	v7 =	vor.u32 v2, v7;
	v16 =	vld [tilespmem:s15+$0x0]  }
0x37: {  	v6 =	vor.u32 v2, v6;
	v8 =	vor.u32 v2, v8;
	v17 =	vld [tilespmem:s15+$0x10];
	v12 =	vshra.s32 v12, $0x12  }
0x38: {  	v19 =	vor.u32 v2, v5;
	v13 =	vshra.s32 v13, $0x12;
	v18 =	vld [tilespmem:s15+$0x20];
	vm0 =	vgt.s32 v12, $0x0  }
0x39: {  	v5 =	vld [tilespmem:s15+$0xFFFFFFC0];
	vm1 =	vgt.s32 v13, $0x0;
	v14 =	vshra.s32 v14, $0x12;
	v12 =	vnsel vm0, $0x0, v12  }
0x3a: {  	vm0 =	vgt.s32 v14, $0x0;
	v15 =	vshra.s32 v15, $0x12;
	v12 =	vmin.u32 v12, $0x105F;
	[tilespmem:v10+s9+$0x0] =	vst.idx.add.f32.msk $0xffff, v3  }
0x3b: {  	vm2 =	vgt.s32 v15, $0x0;
	v10 =	vshra.s32 v16, $0x12;
	v12 =	vshll.u32 v12, $0x4;
	[tilespmem:v11+s9+$0x0] =	vst.idx.add.f32.msk $0xffff, v3  }
0x3c: {  	vm3 =	vgt.s32 v10, $0x0;
	v11 =	vshra.s32 v17, $0x12;
	v12 =	vor.u32 v2, v12;
	[tilespmem:v9+s9+$0x0] =	vst.idx.add.f32.msk $0xffff, v3  }
.Ltmp2:
0x3d: {  	v9 =	vnsel vm1, $0x0, v13;
	vm1 =	vgt.s32 v11, $0x0;
	v13 =	vshra.s32 v18, $0x12;
	[tilespmem:v7+s9+$0x0] =	vst.idx.add.f32.msk $0xffff, v3;
	(pc) =	sbr.rel @p0 .LBB2_7-.Ltmp2, $4  }
0x3e: {  	v14 =	vnsel vm0, $0x0, v14;
	v5 =	vshra.s32 v5, $0x12;
	vm0 =	vgt.s32 v13, $0x0;
	[tilespmem:v6+s9+$0x0] =	vst.idx.add.f32.msk $0xffff, v3  }
0x3f: {  	v7 =	vnsel vm2, $0x0, v15;
	v6 =	vnsel vm3, $0x0, v10;
	vm4 =	vgt.s32 v5, $0x0;
	[tilespmem:v8+s9+$0x0] =	vst.idx.add.f32.msk $0xffff, v3  }
0x40: {  	v8 =	vnsel vm1, $0x0, v11;
	v10 =	vnsel vm4, $0x0, v5;
	v5 =	vnsel vm0, $0x0, v13;
	[tilespmem:v19+s9+$0x0] =	vst.idx.add.f32.msk $0xffff, v3  }
0x41: {  	s16 =	simm.s32 $0x0;
	s15 =	sadd.s32 $0x80, s15;
	v11 =	vmin.u32 v9, $0x105F;
	v9 =	vmin.u32 v14, $0x105F;
	v10 =	vmin.u32 v10, $0x105F;
	[tilespmem:v12+s9+$0x0] =	vst.idx.add.f32.msk $0xffff, v3  }
0x42: {  	v10 =	vshll.u32 v10, $0x4  }
0x43: {  	v11 =	vshll.u32 v11, $0x4;
	v10 =	vor.u32 v2, v10  }
0x44: {  	v7 =	vmin.u32 v7, $0x105F;
	v9 =	vshll.u32 v9, $0x4;
	v11 =	vor.u32 v2, v11  }
0x45: {  	v6 =	vmin.u32 v6, $0x105F;
	v7 =	vshll.u32 v7, $0x4;
	v9 =	vor.u32 v2, v9  }
0x46: {  	v8 =	vmin.u32 v8, $0x105F;
	v6 =	vshll.u32 v6, $0x4;
	v7 =	vor.u32 v2, v7  }
0x47: {  	v5 =	vmin.u32 v5, $0x105F;
	v8 =	vshll.u32 v8, $0x4;
	v6 =	vor.u32 v2, v6  }
0x48: {  	v5 =	vshll.u32 v5, $0x4;
	v8 =	vor.u32 v2, v8;
	[tilespmem:v10+s9+$0x0] =	vst.idx.add.f32.msk $0xffff, v3  }
0x49: {  	v5 =	vor.u32 v2, v5;
	[tilespmem:v11+s9+$0x0] =	vst.idx.add.f32.msk $0xffff, v3  }
0x4a: {  	[tilespmem:v9+s9+$0x0] =	vst.idx.add.f32.msk $0xffff, v3  }
0x4b: {  	[tilespmem:v7+s9+$0x0] =	vst.idx.add.f32.msk $0xffff, v3  }
0x4c: {  	[tilespmem:v6+s9+$0x0] =	vst.idx.add.f32.msk $0xffff, v3  }
0x4d: {  	[tilespmem:v8+s9+$0x0] =	vst.idx.add.f32.msk $0xffff, v3  }
0x4e: {  	[tilespmem:v5+s9+$0x0] =	vst.idx.add.f32.msk $0xffff, v3  }
.LBB2_9:
0x4f: {  	s14 =	sshra.s32 s16, $0x2  }
0x50: {  	v5 =	vld [tilespmem:s14+$0x9C00];
	_ =	sdelay $0x4  }
0x51: {  	v5 =	vshra.s32 v5, $0x12  }
0x52: {  	vm0 =	vgt.s32 v5, $0x0  }
0x53: {  	v5 =	vnsel vm0, $0x0, v5  }
0x54: {  	v5 =	vmin.u32 v5, $0x105F  }
0x55: {  	v5 =	vshll.u32 v5, $0x4  }
0x56: {  	p0 =	sne.s32 s16, $0xC0;
	v5 =	vor.u32 v2, v5  }
.Ltmp3:
0x57: {  	_ = 	snop;
	(pc) =	sbr.rel @p0 .LBB2_9-.Ltmp3, $2  }
0x58: {  	_ =	sdelay $0x2  }
0x59: {  	s16 =	sadd.s32 $0x40, s16;
	[tilespmem:v5+s9+$0x0] =	vst.idx.add.f32.msk $0xffff, v3  }
0x5a: {  	s13 =	sadd.s32 $0x1, s13  }
0x5b: {  	p0 =	sne.s32 s13, $0xA  }
.Ltmp4:
0x5c: {  	_ = 	snop;
	(pc) =	sbr.rel @p0 .LBB2_6-.Ltmp4, $2  }
0x5d: {  	_ =	sdelay $0x2  }
0x5e: {  	s15 =	simm.s32 $0x0;
	s14 =	simm.s32 $0xFFFFEFA1;
	s16 =	simm.s32 $0x1A270  }
.LBB2_11:
0x5f: {  	v5 =	vld [tilespmem:s16+$0x0];
	_ =	sdelay $0x4  }
0x60: {  	(xrf2) =	vadd.scan.msk.f32 $0xffff, v5;
	_ =	sdelay $0x9  }
0x61: {  	v5, _, _ =	vpop (xrf2)  }
0x62: {  	(v2sf) =	vpush v5, $0xF;
	_ =	sdelay $0xe  }
0x63: {  	s13 =	spop (v2sf)  }
0x64: {  	s13 =	scvt.f32.s32 s13;
	_ =	sdelay $0x1  }
0x65: {  	p0 =	seq.s32 s14, $0x0;
	s15 =	sadd.s32 s13, s15  }
0x66: {  	p1 =	slt.s32 @!p0 s15, $0x12C  }
0x67: {  	p0 =	por p0, !p1  }
.Ltmp5:
0x68: {  	_ = 	snop;
	(pc) =	sbr.rel @!p0 .LBB2_11-.Ltmp5, $2  }
0x69: {  	_ =	sdelay $0x2  }
0x6a: {  	s14 =	sadd.s32 $0x1, s14;
	s16 =	sadd.s32 $0xFFFFFFF0, s16  }
0x6b: {  	s13 =	ssub.s32 $0x0, s14  }
0x6c: {  	p0 =	sgt.s32 s13, $0x0  }
0x6d: {  	s13 =	simm.s32 @!p0 $0x0  }
0x6e: {  	s13 =	sshll.u32 s13, $0x12  }
0x6f: {  	v7 =	vimm.s32 $0x0;
	s14 =	simm.s32 $0x0;
	v5 =	vmov s13;
	s13 =	simm.s32 $0x0  }
.LBB2_13:
0x70: {  	s15 =	smul.u32 $0x9C40, s14;
	_ =	sdelay $0x1  }
0x71: {  	s15 =	sadd.s32 s4, s15  }
0x72: {  	s15 =	sshrl.u32 s15, $0x3  }
0x73: {  	s15 =	sadd.s32 s3, s15  }
0x74: {  	[tilespmem:s2], [sflag:$0x1] =	stream.linear.gather [hbm4b:s15+s2], $0x9C40, $0x38;
	[tilespmem:$0x1A780] =	vst v63  }
0x75: {  	_ =	swait.ge [sflag:s8], $0x9C40  }
0x76: {  	[sflag:s8] =	ssyncset.done $0x0  }
0x77: {  	s29 =	simm.s32 $0x20;
	[sflag:s8] =	ssyncadd.s32 $0xFFFF63C0  }
0x78: {  	v12 =	vld [tilespmem:s29+$0xFFFFFFE0]  }
0x79: {  	v14 =	vld [tilespmem:s29+$0xFFFFFFF0];
	_ =	sdelay $0x1  }
0x7a: {  	v11 =	vld [tilespmem:s29+$0x0]  }
0x7b: {  	v6 =	vld [tilespmem:s29+$0x10]  }
0x7c: {  	vm2 =	vle.s32 v5, v12  }
0x7d: {  	vm1 =	vle.s32 v5, v14;
	v8 =	vsel vm2, $0x1, v4  }
0x7e: {  	v9 =	vsel vm1, $0x1, v4;
	(xrf0) =	vadd.scan.msk.s32 $0xffff, v8  }
0x7f: {  	vm0 =	vle.s32 v5, v11;
	(xrf0) =	vadd.scan.msk.s32 $0xffff, v9  }
0x80: {  	vm3 =	vle.s32 v5, v6;
	v8 =	vmpcnt.ones.xlane vm2;
	v9 =	vsel vm0, $0x1, v4  }
0x81: {  	v10 =	vmpcnt.ones.xlane vm1;
	v13 =	vsel vm3, $0x1, v4;
	(xrf0) =	vadd.scan.msk.s32 $0xffff, v9  }
0x82: {  	v8 =	vadd.s32 v7, v8;
	v9 =	vmpcnt.ones.xlane vm0;
	(xrf0) =	vadd.scan.msk.s32 $0xffff, v13  }
0x83: {  	s30 =	simm.s32 $0x60;
	v15 =	vadd.s32 v8, v10;
	v10 =	vmpcnt.ones.xlane vm3  }
0x84: {  	v13 =	vadd.s32 v15, v9;
	v9 =	vld [tilespmem:s30+$0xFFFFFFE0];
	v16, _, _ =	vpop (xrf0)  }
0x85: {  	v19 =	vor.u32 s13, v2;
	v17 =	vadd.s32 v13, v10;
	v10 =	vadd.s32 v16, v7;
	v16, _, _ =	vpop (xrf0);
	v7 =	vld [tilespmem:s30+$0xFFFFFFF0]  }
0x86: {  	vm0 =	vmmov vm0;
	v18 =	vadd.s32 $0xFFFFFFFF, v10;
	v8 =	vadd.s32 v16, v8  }
0x87: {  	vm3 =	vmmov vm3;
	v10 =	vld [tilespmem:s30+$0x0];
	v16, _, _ =	vpop (xrf0);
	vm4 =	vlt.s32 v18, $0x280;
	v22 =	vadd.s32 $0xFFFFFFFF, v8  }
0x88: {  	v8 =	vld [tilespmem:s30+$0x10];
	v15 =	vadd.s32 v16, v15;
	v16, _, _ =	vpop (xrf0);
	vm7 =	vmand vm2, vm4;
	vm2 =	vlt.s32 v22, $0x280  }
0x89: {  	v13 =	vadd.s32 v16, v13;
	vm6 =	vmand vm1, vm2;
	vm2 =	vle.s32 v5, v9  }
0x8a: {  	v16 =	vsel vm2, $0x1, v4;
	vm1 =	vle.s32 v5, v7;
	v20 =	vmpcnt.ones.xlane vm2  }
0x8b: {  	v15 =	vadd.s32 $0xFFFFFFFF, v15;
	v21 =	vsel vm1, $0x1, v4;
	(xrf0) =	vadd.scan.msk.s32 $0xffff, v16;
	v16 =	vmpcnt.ones.xlane vm1  }
0x8c: {  	vm4 =	vlt.s32 v15, $0x280;
	vm8 =	vle.s32 v5, v10;
	(xrf0) =	vadd.scan.msk.s32 $0xffff, v21;
	v23 =	vadd.s32 v17, v20  }
0x8d: {  	vm9 =	vle.s32 v5, v8;
	v20 =	vadd.s32 v23, v16;
	v16 =	vsel vm8, $0x1, v4  }
0x8e: {  	v13 =	vadd.s32 $0xFFFFFFFF, v13;
	[tilespmem:v18+s10+$0x0] =	vst.idx.msk vm7, v12;
	v12 =	vsel vm9, $0x1, v4;
	(xrf0) =	vadd.scan.msk.s32 $0xffff, v16  }
0x8f: {  	s16 =	sadd.s32 $0x10, s13;
	vm10 =	vlt.s32 v13, $0x280;
	vm5 =	vmand vm0, vm4;
	v21 =	vmpcnt.ones.xlane vm8;
	(xrf0) =	vadd.scan.msk.s32 $0xffff, v12  }
0x90: {  	vm4 =	vmand vm3, vm10;
	v24 =	vmpcnt.ones.xlane vm9;
	[tilespmem:v18+s11+$0x0] =	vst.idx.msk vm7, v19;
	v18 =	vor.u32 s16, v2  }
0x91: {  	s17 =	simm.s32 $0xA0;
	s31 =	sadd.s32 $0x20, s13;
	vm3 =	vmmov vm8;
	vm0 =	vmmov vm9;
	v21 =	vadd.s32 v20, v21;
	[tilespmem:v22+s10+$0x0] =	vst.idx.msk vm6, v14;
	v12, _, _ =	vpop (xrf0)  }
0x92: {  	s15 =	sadd.s32 $0x40, s13;
	v16 =	vadd.s32 v21, v24;
	v14 =	vld [tilespmem:s17+$0xFFFFFFE0];
	[tilespmem:v22+s11+$0x0] =	vst.idx.msk vm6, v18;
	v22 =	vor.u32 s31, v2;
	v19 =	vadd.s32 v12, v17;
	v63, _, _ =	vpop (xrf0)  }
0x93: {  	s18 =	simm.s32 $0x8;
	s19 =	sadd.s32 $0x30, s13;
	s16 =	smov.u32 s15;
	v17 =	vor.u32 s15, v2;
	v12 =	vld [tilespmem:s17+$0xFFFFFFF0];
	v18 =	vmovc v16;
	v19 =	vadd.s32 $0xFFFFFFFF, v19;
	v23 =	vadd.s32 v63, v23  }
.LBB2_14:
0x94: {  	s18 =	sadd.s32 $0x4, s18;
	v24 =	vld [tilespmem:s17+$0x0];
	vm6 =	vlt.s32 v19, $0x280;
	v23 =	vadd.s32 $0xFFFFFFFF, v23;
	v25, _, _ =	vpop (xrf0);
	v26 =	vor.u32 s19, v2  }
0x95: {  	p0 =	slt.u32 s18, $0x9C0;
	v27 =	vld [tilespmem:s17+$0x10];
	vm7 =	vmand vm2, vm6;
	vm2 =	vlt.s32 v23, $0x280;
	v20 =	vadd.s32 v25, v20;
	v25, _, _ =	vpop (xrf0);
	[tilespmem:v15+s10+$0x0] =	vst.idx.msk vm5, v11  }
0x96: {  	v11 =	vmovc v10;
	vm6 =	vmand vm1, vm2;
	v21 =	vadd.s32 v25, v21;
	[tilespmem:v15+s11+$0x0] =	vst.idx.msk vm5, v22;
	v15 =	vadd.s32 $0xFFFFFFFF, v20  }
0x97: {  	vm2 =	vle.s32 v5, v14;
	vm5 =	vlt.s32 v15, $0x280;
	v25 =	vadd.s32 $0xFFFFFFFF, v21;
	[tilespmem:v13+s10+$0x0] =	vst.idx.msk vm4, v6;
	v6 =	vmovc v8  }
0x98: {  	v28 =	vsel vm2, $0x1, v4;
	v20 =	vmpcnt.ones.xlane vm2;
	vm1 =	vle.s32 v5, v12;
	[tilespmem:v13+s11+$0x0] =	vst.idx.msk vm4, v26;
	v13 =	vmovc v25  }
0x99: {  	v21 =	vsel vm1, $0x1, v4;
	v22 =	vmpcnt.ones.xlane vm1;
	vm8 =	vle.s32 v5, v24;
	(xrf0) =	vadd.scan.msk.s32 $0xffff, v28;
	v10 =	vmovc v24  }
0x9a: {  	v24 =	vadd.s32 v16, v20;
	v16 =	vmpcnt.ones.xlane vm8;
	vm9 =	vle.s32 v5, v27;
	(xrf0) =	vadd.scan.msk.s32 $0xffff, v21;
	v8 =	vmovc v27  }
0x9b: {  	v20 =	vadd.s32 v24, v22;
	v22 =	vsel vm8, $0x1, v4;
	v25 =	vmpcnt.ones.xlane vm9;
	[tilespmem:v19+s10+$0x0] =	vst.idx.msk vm7, v9;
	v9 =	vmovc v14  }
0x9c: {  	vm4 =	vlt.s32 v13, $0x280;
	v14 =	vsel vm9, $0x1, v4;
	v21 =	vadd.s32 v20, v16;
	(xrf0) =	vadd.scan.msk.s32 $0xffff, v22  }
.Ltmp6:
0x9d: {  	vm5 =	vmand vm3, vm5;
	vm4 =	vmand vm0, vm4;
	v16 =	vadd.s32 v21, v25;
	(xrf0) =	vadd.scan.msk.s32 $0xffff, v14;
	(pc) =	sbr.rel @p0 .LBB2_14-.Ltmp6, $4  }
0x9e: {  	s19 =	sadd.s32 $0x10, s15;
	vm3 =	vmmov vm8;
	vm0 =	vmmov vm9;
	[tilespmem:v19+s11+$0x0] =	vst.idx.msk vm7, v17  }
0x9f: {  	s15 =	sadd.s32 $0x40, s15;
	s17 =	sadd.s32 $0x40, s17;
	v19 =	vor.u32 s19, v2;
	v17, _, _ =	vpop (xrf0);
	[tilespmem:v23+s10+$0x0] =	vst.idx.msk vm6, v7;
	v7 =	vmov v12  }
0xa0: {  	s19 =	sadd.s32 $0x20, s16;
	v14 =	vld [tilespmem:s17+$0xFFFFFFE0];
	v22 =	vadd.s32 v17, v18;
	v17 =	vor.u32 s15, v2;
	v25, _, _ =	vpop (xrf0);
	[tilespmem:v23+s11+$0x0] =	vst.idx.msk vm6, v19;
	v18 =	vmov v16  }
0xa1: {  	v12 =	vld [tilespmem:s17+$0xFFFFFFF0];
	v19 =	vadd.s32 $0xFFFFFFFF, v22;
	v23 =	vadd.s32 v25, v24;
	v22 =	vor.u32 s19, v2;
	s19 =	sadd.s32 $0x30, s16;
	s16 =	smov.u32 s15  }
0xa2: {  	_ =	sdelay $0x1  }
0xa3: {  	v24 =	vld [tilespmem:s17+$0x0]  }
0xa4: {  	vm7 =	vle.s32 v5, v14  }
0xa5: {  	v25 =	vld [tilespmem:s17+$0x10];
	v26 =	vsel vm7, $0x1, v4  }
0xa6: {  	vm8 =	vlt.s32 v19, $0x280;
	vm6 =	vle.s32 v5, v12;
	(xrf0) =	vadd.scan.msk.s32 $0xffff, v26  }
0xa7: {  	v23 =	vadd.s32 $0xFFFFFFFF, v23;
	v47 =	vor.u32 s19, v2;
	[tilespmem:v15+s10+$0x0] =	vst.idx.msk vm5, v11;
	v48 =	vsel vm6, $0x1, v4  }
0xa8: {  	v27, _, _ =	vpop (xrf0);
	vm8 =	vmand vm2, vm8;
	vm9 =	vlt.s32 v23, $0x280;
	vm13 =	vle.s32 v5, v24;
	(xrf0) =	vadd.scan.msk.s32 $0xffff, v48  }
0xa9: {  	[tilespmem:v15+s11+$0x0] =	vst.idx.msk vm5, v22;
	v49 =	vadd.s32 v27, v20;
	v50, _, _ =	vpop (xrf0);
	vm14 =	vmand vm1, vm9;
	v51 =	vsel vm13, $0x1, v4  }
0xaa: {  	v11 =	vadd.s32 $0xFFFFFFFF, v49;
	v15 =	vadd.s32 v50, v21;
	vm1 =	vle.s32 v5, v25;
	(xrf0) =	vadd.scan.msk.s32 $0xffff, v51  }
0xab: {  	[tilespmem:v13+s10+$0x0] =	vst.idx.msk vm4, v6;
	vm15 =	vlt.s32 v11, $0x280;
	v15 =	vadd.s32 $0xFFFFFFFF, v15;
	v52 =	vsel vm1, $0x1, v4  }
0xac: {  	v6 =	vmpcnt.ones.xlane vm7;
	vm3 =	vmand vm3, vm15;
	vm10 =	vlt.s32 v15, $0x280;
	(xrf0) =	vadd.scan.msk.s32 $0xffff, v52;
	v54, _, _ =	vpop (xrf0)  }
0xad: {  	[tilespmem:v13+s11+$0x0] =	vst.idx.msk vm4, v47;
	v53 =	vmpcnt.ones.xlane vm6;
	vm0 =	vmand vm0, vm10;
	v55 =	vadd.s32 v54, v18  }
0xae: {  	v6 =	vadd.s32 v16, v6;
	v56 =	vmpcnt.ones.xlane vm13;
	[tilespmem:v19+s10+$0x0] =	vst.idx.msk vm8, v9;
	v57, _, _ =	vpop (xrf0);
	v13 =	vadd.s32 $0xFFFFFFFF, v55  }
0xaf: {  	s25 =	sadd.s32 $0x10, s15;
	v58 =	vadd.s32 v6, v53;
	[tilespmem:v19+s11+$0x0] =	vst.idx.msk vm8, v17;
	v6 =	vadd.s32 v57, v6;
	vm11 =	vlt.s32 v13, $0x280  }
0xb0: {  	s26 =	sadd.s32 $0x20, s16;
	[tilespmem:v23+s10+$0x0] =	vst.idx.msk vm14, v7;
	v7 =	vor.u32 s25, v2;
	v59, _, _ =	vpop (xrf0);
	v6 =	vadd.s32 $0xFFFFFFFF, v6;
	vm4 =	vmand vm7, vm11  }
0xb1: {  	v60 =	vor.u32 s26, v2;
	[tilespmem:v23+s11+$0x0] =	vst.idx.msk vm14, v7;
	v7 =	vadd.s32 v59, v58;
	vm12 =	vlt.s32 v6, $0x280  }
0xb2: {  	v16 =	vadd.s32 v58, v56;
	[tilespmem:v11+s10+$0x0] =	vst.idx.msk vm3, v10;
	v61, _, _ =	vpop (xrf0);
	v7 =	vadd.s32 $0xFFFFFFFF, v7;
	vm5 =	vmand vm6, vm12  }
0xb3: {  	s28 =	sadd.s32 $0x30, s16;
	vm2 =	vmmov vm13;
	[tilespmem:v11+s11+$0x0] =	vst.idx.msk vm3, v60;
	v62 =	vadd.s32 v61, v16;
	vm13 =	vlt.s32 v7, $0x280  }
0xb4: {  	v63 =	vor.u32 s28, v2;
	[tilespmem:v15+s10+$0x0] =	vst.idx.msk vm0, v8;
	v10 =	vadd.s32 $0xFFFFFFFF, v62;
	vm2 =	vmand vm2, vm13  }
0xb5: {  	s29 =	sadd.s32 $0x40, s15;
	vm14 =	vmmov vm1;
	[tilespmem:v15+s11+$0x0] =	vst.idx.msk vm0, v63;
	vm15 =	vlt.s32 v10, $0x280  }
0xb6: {  	v8 =	vor.u32 s29, v2;
	vm0 =	vmand vm14, vm15;
	[tilespmem:v13+s10+$0x0] =	vst.idx.msk vm4, v14  }
0xb7: {  	s14 =	sadd.s32 $0x1, s14;
	s30 =	sadd.s32 $0x10, s29;
	[tilespmem:v13+s11+$0x0] =	vst.idx.msk vm4, v8  }
0xb8: {  	p0 =	sne.s32 s14, $0xA;
	[tilespmem:v6+s10+$0x0] =	vst.idx.msk vm5, v12;
	v8 =	vor.u32 s30, v2  }
.Ltmp7:
0xb9: {  	s31 =	sadd.s32 $0x20, s29;
	[tilespmem:v6+s11+$0x0] =	vst.idx.msk vm5, v8;
	(pc) =	sbr.rel @p0 .LBB2_13-.Ltmp7, $4  }
0xba: {  	v6 =	vor.u32 s31, v2;
	[tilespmem:v7+s10+$0x0] =	vst.idx.msk vm2, v24  }
0xbb: {  	s15 =	sadd.s32 $0x30, s29;
	v8 =	vmpcnt.ones.xlane vm1;
	[tilespmem:v7+s11+$0x0] =	vst.idx.msk vm2, v6  }
0xbc: {  	v6 =	vor.u32 s15, v2;
	[tilespmem:v10+s10+$0x0] =	vst.idx.msk vm0, v25  }
0xbd: {  	s13 =	sadd.s32 $0x9C40, s13;
	v7 =	vadd.s32 v16, v8;
	[tilespmem:v10+s11+$0x0] =	vst.idx.msk vm0, v6  }
0xbe: {  	[hbm4b:s5+s2] =	stream.linear.scatter [tilespmem:s10], [sflag:$0x1], $0x280, $0x38;
	[tilespmem:$0x1A780] =	vst v63  }
0xbf: {  	s12 =	sadd.s32 $0x1, s12;
	_ =	swait.ge [sflag:s8], $0x280  }
0xc0: {  	p0 =	sne.s32 s12, s7;
	[sflag:s8] =	ssyncset.done $0x0  }
.Ltmp8:
0xc1: {  	[sflag:s8] =	ssyncadd.s32 $0xFFFFFD80;
	(pc) =	sbr.rel @p0 .LBB2_1-.Ltmp8, $4  }
0xc2: {  	[hbm4b:s6+s2] =	stream.linear.scatter [tilespmem:s11], [sflag:$0x1], $0x280, $0x38;
	[tilespmem:$0x1A780] =	vst v63  }
0xc3: {  	_ =	swait.ge [sflag:s8], $0x280  }
0xc4: {  	[sflag:s8] =	ssyncset.done $0x0  }
0xc5: {  	[sflag:s8] =	ssyncadd.s32 $0xFFFFFD80  }
0xc6: {  	_ =	sfence.sel $0x180000  }
0xc7: {  	[bflag:$0x0] =	sbarrier.arrive $0xFFFF  }
0xc8: {  	p0 =	sne.s32 s1, $0x0;
	_ =	strace $0x90000047  }
0xc9: {  	s0 =	sadd.s32 @!p0 $0x100000, s0;
	[bflag:$0x2] =	sbarrier.arrive $0xFFFF  }
0xca: {  	[sflag:s0] =	ssyncadd.tile.s32 @!p0 $0x1;
	_ =	shalt  }
.Lfunc_end2:
_tile_overlayer_lowered:
.L_overlay_start_2:
0xcb: {  	(tag) =	ssettag $0x2  }
0xcc: {  	s0 =	rddreg [dreg:$0x0];
	s2 =	stileid.u32  }
0xcd: {  	s1 =	rddreg [dreg:$0x1];
	p0 =	sne.s32 s2, $0x0  }
0xce: {  	s3 =	rddreg [dreg:$0x2];
	[bflag:$0x3] =	sbarrier.arrive $0xFFFF;
	s2 =	simm.s32 @!p0 $0x1C01  }
0xcf: {  	[timem:s3], [sflag:s2] =	dma.local @!p0 [hbm:s0], s1  }
0xd0: {  	s0 =	simm.s32 @!p0 $0x1  }
0xd1: {  	_ =	swait.ge @!p0 [sflag:s0], s1  }
0xd2: {  	s1 =	ssub.s32 @!p0 $0x0, s1;
	[sflag:s0] =	ssyncset.done @!p0 $0x0  }
0xd3: {  	[sflag:s0] =	ssyncadd.s32 @!p0 s1  }
0xd4: {  	[bflag:$0x3] =	sbarrier.arrive $0xFFFF  }
0xd5: {  	_ =	shalt  }

</sc_bundles>
